<compile_context>
chip_gen: v7x
topology: tpu7x:2x2x1
jax: 0.10.2.dev20260603
libtpu: 0.0.44.dev20260713+nightly
codegen_flags: <defaults>
</compile_context>

<pallas_src>
import functools

import jax
import jax.numpy as jnp
from jax import lax
from jax.experimental import pallas as pl
from jax.experimental.pallas import tpu as pltpu
from jax.experimental.pallas import tpu_sc as plsc

LATENT = 128
BATCH = 16384
NC, NS, L = 2, 16, 16
NW = NC * NS
BPW = BATCH // NW
CH = 128
NCHUNK = BPW // CH
NRB = 3

_mesh = plsc.VectorSubcoreMesh(core_axis_name="c", subcore_axis_name="s")


@functools.partial(
    pl.kernel,
    mesh=_mesh,
    out_type=jax.ShapeDtypeStruct((BATCH, LATENT), jnp.float32),
    scratch_types=[
        pltpu.VMEM((BPW,), jnp.int32),
        pltpu.VMEM((BPW, LATENT), jnp.float32),
        pltpu.VMEM((CH, LATENT), jnp.float32),
        pltpu.VMEM((CH, LATENT), jnp.float32),
        pltpu.VMEM((CH, LATENT), jnp.float32),
        pltpu.SemaphoreType.DMA,
        pltpu.SemaphoreType.DMA,
        pltpu.SemaphoreType.DMA,
        pltpu.SemaphoreType.DMA,
        pltpu.SemaphoreType.DMA,
        pltpu.SemaphoreType.DMA,
        pltpu.SemaphoreType.DMA,
        pltpu.SemaphoreType.DMA,
        pltpu.SemaphoreType.DMA,
    ],
)
def _emb_mul(z_hbm, label_hbm, table_hbm, out_hbm, idx_v, zb, r0, r1, r2,
             sg0, sg1, sg2, sz0, sz1, sz2, sz3, so0, so1):
    wid = lax.axis_index("s") * NC + lax.axis_index("c")
    base = wid * BPW
    rbuf = (r0, r1, r2)
    sg = (sg0, sg1, sg2)
    sz = (sz0, sz1, sz2, sz3)
    so = (so0, so1)

    pltpu.sync_copy(label_hbm.at[pl.ds(base, BPW)], idx_v)
    z_cp = [None] * NCHUNK
    g_cp = [None] * NCHUNK
    for c in range(NRB):
        g_cp[c] = pltpu.async_copy(
            table_hbm.at[idx_v.at[pl.ds(c * CH, CH)]], rbuf[c], sg[c])
        z_cp[c] = pltpu.async_copy(
            z_hbm.at[pl.ds(base + c * CH, CH)],
            zb.at[pl.ds(c * CH, CH)], sz[c])
    z_cp[NCHUNK - 1] = pltpu.async_copy(
        z_hbm.at[pl.ds(base + (NCHUNK - 1) * CH, CH)],
        zb.at[pl.ds((NCHUNK - 1) * CH, CH)], sz[NCHUNK - 1])

    out_cp = [None] * NCHUNK
    for c in range(NCHUNK):
        b = c % NRB
        g_cp[c].wait()
        z_cp[c].wait()
        rb = rbuf[b]

        @plsc.parallel_loop(0, CH, step=1, unroll=2)
        def row(r):
            zr = c * CH + r
            for j in range(LATENT // L):
                s = pl.ds(j * L, L)
                zb[zr, s] = zb[zr, s] * rb[r, s]

        out_cp[c] = pltpu.async_copy(
            zb.at[pl.ds(c * CH, CH)],
            out_hbm.at[pl.ds(base + c * CH, CH)], so[c % 2])
        if c + NRB < NCHUNK:
            g_cp[c + NRB] = pltpu.async_copy(
                table_hbm.at[idx_v.at[pl.ds((c + NRB) * CH, CH)]],
                rbuf[b], sg[b])
    for c in range(NCHUNK):
        out_cp[c].wait()


def kernel(z, label, table):
    return _emb_mul(z, label.astype(jnp.int32), table)

# --- scband reference (transcript-rebuilt; emitter-appended) ---
"""Pipeline reference for scband-embedding-labeled-latent-51994874085403 (READ-ONLY COPY).

The authoritative reference and input builder live on the scoring server;
editing this copy changes nothing except your own understanding.
"""

import jax, jax.numpy as jnp
import numpy as np

LATENT_DIM = 128
NUM_CLASS = 1000
BATCH = 16384

def setup_inputs(seed: int = 0) -> dict:
    key = jax.random.key(seed)
    k_z, k_label, k_table = jax.random.split(key, 3)
    z = jax.random.normal(k_z, (BATCH, LATENT_DIM), dtype=jnp.float32)
    label = jax.random.randint(k_label, (BATCH,), 0, NUM_CLASS, dtype=jnp.int64 if jax.config.jax_enable_x64 else jnp.int32)
    # learned embedding table, nn.Embedding default init: N(0, 1)
    table = jax.random.normal(k_table, (NUM_CLASS, LATENT_DIM), dtype=jnp.float32)
    return {"z": z, "label": label, "table": table}

def reference(z, label, table):
    # embedding lookup: [B] -> [B, latent_dim]; Flatten over [B, latent_dim] is identity
    le = jnp.take(table, label, axis=0)
    return z * le

if __name__ == "__main__":
    import jax
    _d = setup_inputs()
    print(jax.jit(kernel)(*tuple(_d.values())))

</pallas_src>

<mosaic_0001>
#map = affine_map<(d0, d1) -> (0, 0)>
#map1 = affine_map<(d0, d1) -> (0)>
module attributes {stable_mosaic.version = 14 : i64} {
  func.func @_emb_mul(%arg0: i32, %arg1: i32, %arg2: memref<16384x128xf32, #tpu.memory_space<hbm>>, %arg3: memref<16384xi32, #tpu.memory_space<hbm>>, %arg4: memref<1000x128xf32, #tpu.memory_space<hbm>>, %arg5: memref<16384x128xf32, #tpu.memory_space<hbm>>, %arg6: memref<512xi32, #tpu.memory_space<vmem>>, %arg7: memref<512x128xf32, #tpu.memory_space<vmem>>, %arg8: memref<128x128xf32, #tpu.memory_space<vmem>>, %arg9: memref<128x128xf32, #tpu.memory_space<vmem>>, %arg10: memref<128x128xf32, #tpu.memory_space<vmem>>, %arg11: memref<!tpu.dma_semaphore, #tpu.memory_space<semaphore_mem>>, %arg12: memref<!tpu.dma_semaphore, #tpu.memory_space<semaphore_mem>>, %arg13: memref<!tpu.dma_semaphore, #tpu.memory_space<semaphore_mem>>, %arg14: memref<!tpu.dma_semaphore, #tpu.memory_space<semaphore_mem>>, %arg15: memref<!tpu.dma_semaphore, #tpu.memory_space<semaphore_mem>>, %arg16: memref<!tpu.dma_semaphore, #tpu.memory_space<semaphore_mem>>, %arg17: memref<!tpu.dma_semaphore, #tpu.memory_space<semaphore_mem>>, %arg18: memref<!tpu.dma_semaphore, #tpu.memory_space<semaphore_mem>>, %arg19: memref<!tpu.dma_semaphore, #tpu.memory_space<semaphore_mem>>) attributes {dimension_semantics = [#tpu.dimension_semantics<core_parallel>, #tpu.dimension_semantics<subcore_parallel>], iteration_bounds = array<i64: 2, 16>, scalar_prefetch = 0 : i64, scratch_operands = 14 : i64, tpu.core_type = #tpu.core_type<sc_vector_subcore>, window_params = [{transform_indices = #map}, {transform_indices = #map1}, {transform_indices = #map}, {transform_indices = #map}]} {
    %mul3A = arith.constant 2 : i32
    %mul3A_0 = arith.muli %arg1, %mul3A : i32
    %add3A = arith.addi %mul3A_0, %arg0 : i32
    %mul3A_1 = arith.constant 512 : i32
    %mul3A_2 = arith.muli %add3A, %mul3A_1 : i32
    "tpu.region"() ({
      %run_scoped3A = tpu.sem_alloc : memref<!tpu.dma_semaphore, #tpu.memory_space<semaphore_mem>>
      %dma_start3A_228 = tpu.memref_slice %arg3[%mul3A_2] : memref<16384xi32, #tpu.memory_space<hbm>> -> memref<512xi32, #tpu.memory_space<hbm>>
      %dma_start3A_229 = tpu.memref_slice %arg3[%mul3A_2] : memref<16384xi32, #tpu.memory_space<hbm>> -> memref<512xi32, #tpu.memory_space<hbm>>
      tpu.enqueue_dma source(%dma_start3A_229 : memref<512xi32, #tpu.memory_space<hbm>>) target(%arg6 : memref<512xi32, #tpu.memory_space<vmem>>) target_semaphore(%run_scoped3A : memref<!tpu.dma_semaphore, #tpu.memory_space<semaphore_mem>>)
      %dma_wait3A_230 = tpu.memref_slice %arg3[%mul3A_2] : memref<16384xi32, #tpu.memory_space<hbm>> -> memref<512xi32, #tpu.memory_space<hbm>>
      %dma_wait3A_231 = tpu.memref_slice %arg3[%mul3A_2] : memref<16384xi32, #tpu.memory_space<hbm>> -> memref<512xi32, #tpu.memory_space<hbm>>
      tpu.wait_dma2 semaphore(%run_scoped3A : memref<!tpu.dma_semaphore, #tpu.memory_space<semaphore_mem>>) src(%dma_wait3A_231 : memref<512xi32, #tpu.memory_space<hbm>>) dst(%arg6 : memref<512xi32, #tpu.memory_space<vmem>>)
      tpu.yield
    }) : () -> ()
    %dma_start3A = arith.constant 0 : i32
    %dma_start3A_3 = tpu.memref_slice %arg6[%dma_start3A] : memref<512xi32, #tpu.memory_space<vmem>> -> memref<128xi32, #tpu.memory_space<vmem>>
    %dma_start3A_4 = arith.constant 0 : i32
    %dma_start3A_5 = arith.constant 0 : i32
    %dma_start3A_6 = tpu.memref_slice %arg4[%dma_start3A_4, %dma_start3A_5] : memref<1000x128xf32, #tpu.memory_space<hbm>> -> memref<1000x128xf32, #tpu.memory_space<hbm>>
    tpu.enqueue_indirect_dma source(%dma_start3A_6 : memref<1000x128xf32, #tpu.memory_space<hbm>>) target(%arg8 : memref<128x128xf32, #tpu.memory_space<vmem>>) offsets(%dma_start3A_3 : memref<128xi32, #tpu.memory_space<vmem>>) semaphore(%arg11 : memref<!tpu.dma_semaphore, #tpu.memory_space<semaphore_mem>>)
    %add3A_7 = arith.constant 0 : i32
    %add3A_8 = arith.addi %mul3A_2, %add3A_7 : i32
    %dma_start3A_9 = arith.constant 0 : i32
    %dma_start3A_10 = arith.constant 0 : i32
    %dma_start3A_11 = tpu.memref_slice %arg7[%dma_start3A_9, %dma_start3A_10] : memref<512x128xf32, #tpu.memory_space<vmem>> -> memref<128x128xf32, #tpu.memory_space<vmem>>
    %dma_start3A_12 = arith.constant 0 : i32
    %dma_start3A_13 = tpu.memref_slice %arg2[%add3A_8, %dma_start3A_12] : memref<16384x128xf32, #tpu.memory_space<hbm>> -> memref<128x128xf32, #tpu.memory_space<hbm>>
    %dma_start3A_14 = arith.constant 0 : i32
    %dma_start3A_15 = arith.constant 0 : i32
    %dma_start3A_16 = tpu.memref_slice %arg7[%dma_start3A_14, %dma_start3A_15] : memref<512x128xf32, #tpu.memory_space<vmem>> -> memref<128x128xf32, #tpu.memory_space<vmem>>
    %dma_start3A_17 = arith.constant 0 : i32
    %dma_start3A_18 = tpu.memref_slice %arg2[%add3A_8, %dma_start3A_17] : memref<16384x128xf32, #tpu.memory_space<hbm>> -> memref<128x128xf32, #tpu.memory_space<hbm>>
    tpu.enqueue_dma source(%dma_start3A_18 : memref<128x128xf32, #tpu.memory_space<hbm>>) target(%dma_start3A_16 : memref<128x128xf32, #tpu.memory_space<vmem>>) target_semaphore(%arg14 : memref<!tpu.dma_semaphore, #tpu.memory_space<semaphore_mem>>)
    %dma_start3A_19 = arith.constant 128 : i32
    %dma_start3A_20 = tpu.memref_slice %arg6[%dma_start3A_19] : memref<512xi32, #tpu.memory_space<vmem>> -> memref<128xi32, #tpu.memory_space<vmem>>
    %dma_start3A_21 = arith.constant 0 : i32
    %dma_start3A_22 = arith.constant 0 : i32
    %dma_start3A_23 = tpu.memref_slice %arg4[%dma_start3A_21, %dma_start3A_22] : memref<1000x128xf32, #tpu.memory_space<hbm>> -> memref<1000x128xf32, #tpu.memory_space<hbm>>
    tpu.enqueue_indirect_dma source(%dma_start3A_23 : memref<1000x128xf32, #tpu.memory_space<hbm>>) target(%arg9 : memref<128x128xf32, #tpu.memory_space<vmem>>) offsets(%dma_start3A_20 : memref<128xi32, #tpu.memory_space<vmem>>) semaphore(%arg12 : memref<!tpu.dma_semaphore, #tpu.memory_space<semaphore_mem>>)
    %add3A_24 = arith.constant 128 : i32
    %add3A_25 = arith.addi %mul3A_2, %add3A_24 : i32
    %dma_start3A_26 = arith.constant 128 : i32
    %dma_start3A_27 = arith.constant 0 : i32
    %dma_start3A_28 = tpu.memref_slice %arg7[%dma_start3A_26, %dma_start3A_27] : memref<512x128xf32, #tpu.memory_space<vmem>> -> memref<128x128xf32, #tpu.memory_space<vmem>>
    %dma_start3A_29 = arith.constant 0 : i32
    %dma_start3A_30 = tpu.memref_slice %arg2[%add3A_25, %dma_start3A_29] : memref<16384x128xf32, #tpu.memory_space<hbm>> -> memref<128x128xf32, #tpu.memory_space<hbm>>
    %dma_start3A_31 = arith.constant 128 : i32
    %dma_start3A_32 = arith.constant 0 : i32
    %dma_start3A_33 = tpu.memref_slice %arg7[%dma_start3A_31, %dma_start3A_32] : memref<512x128xf32, #tpu.memory_space<vmem>> -> memref<128x128xf32, #tpu.memory_space<vmem>>
    %dma_start3A_34 = arith.constant 0 : i32
    %dma_start3A_35 = tpu.memref_slice %arg2[%add3A_25, %dma_start3A_34] : memref<16384x128xf32, #tpu.memory_space<hbm>> -> memref<128x128xf32, #tpu.memory_space<hbm>>
    tpu.enqueue_dma source(%dma_start3A_35 : memref<128x128xf32, #tpu.memory_space<hbm>>) target(%dma_start3A_33 : memref<128x128xf32, #tpu.memory_space<vmem>>) target_semaphore(%arg15 : memref<!tpu.dma_semaphore, #tpu.memory_space<semaphore_mem>>)
    %dma_start3A_36 = arith.constant 256 : i32
    %dma_start3A_37 = tpu.memref_slice %arg6[%dma_start3A_36] : memref<512xi32, #tpu.memory_space<vmem>> -> memref<128xi32, #tpu.memory_space<vmem>>
    %dma_start3A_38 = arith.constant 0 : i32
    %dma_start3A_39 = arith.constant 0 : i32
    %dma_start3A_40 = tpu.memref_slice %arg4[%dma_start3A_38, %dma_start3A_39] : memref<1000x128xf32, #tpu.memory_space<hbm>> -> memref<1000x128xf32, #tpu.memory_space<hbm>>
    tpu.enqueue_indirect_dma source(%dma_start3A_40 : memref<1000x128xf32, #tpu.memory_space<hbm>>) target(%arg10 : memref<128x128xf32, #tpu.memory_space<vmem>>) offsets(%dma_start3A_37 : memref<128xi32, #tpu.memory_space<vmem>>) semaphore(%arg13 : memref<!tpu.dma_semaphore, #tpu.memory_space<semaphore_mem>>)
    %add3A_41 = arith.constant 256 : i32
    %add3A_42 = arith.addi %mul3A_2, %add3A_41 : i32
    %dma_start3A_43 = arith.constant 256 : i32
    %dma_start3A_44 = arith.constant 0 : i32
    %dma_start3A_45 = tpu.memref_slice %arg7[%dma_start3A_43, %dma_start3A_44] : memref<512x128xf32, #tpu.memory_space<vmem>> -> memref<128x128xf32, #tpu.memory_space<vmem>>
    %dma_start3A_46 = arith.constant 0 : i32
    %dma_start3A_47 = tpu.memref_slice %arg2[%add3A_42, %dma_start3A_46] : memref<16384x128xf32, #tpu.memory_space<hbm>> -> memref<128x128xf32, #tpu.memory_space<hbm>>
    %dma_start3A_48 = arith.constant 256 : i32
    %dma_start3A_49 = arith.constant 0 : i32
    %dma_start3A_50 = tpu.memref_slice %arg7[%dma_start3A_48, %dma_start3A_49] : memref<512x128xf32, #tpu.memory_space<vmem>> -> memref<128x128xf32, #tpu.memory_space<vmem>>
    %dma_start3A_51 = arith.constant 0 : i32
    %dma_start3A_52 = tpu.memref_slice %arg2[%add3A_42, %dma_start3A_51] : memref<16384x128xf32, #tpu.memory_space<hbm>> -> memref<128x128xf32, #tpu.memory_space<hbm>>
    tpu.enqueue_dma source(%dma_start3A_52 : memref<128x128xf32, #tpu.memory_space<hbm>>) target(%dma_start3A_50 : memref<128x128xf32, #tpu.memory_space<vmem>>) target_semaphore(%arg16 : memref<!tpu.dma_semaphore, #tpu.memory_space<semaphore_mem>>)
    %add3A_53 = arith.constant 384 : i32
    %add3A_54 = arith.addi %mul3A_2, %add3A_53 : i32
    %dma_start3A_55 = arith.constant 384 : i32
    %dma_start3A_56 = arith.constant 0 : i32
    %dma_start3A_57 = tpu.memref_slice %arg7[%dma_start3A_55, %dma_start3A_56] : memref<512x128xf32, #tpu.memory_space<vmem>> -> memref<128x128xf32, #tpu.memory_space<vmem>>
    %dma_start3A_58 = arith.constant 0 : i32
    %dma_start3A_59 = tpu.memref_slice %arg2[%add3A_54, %dma_start3A_58] : memref<16384x128xf32, #tpu.memory_space<hbm>> -> memref<128x128xf32, #tpu.memory_space<hbm>>
    %dma_start3A_60 = arith.constant 384 : i32
    %dma_start3A_61 = arith.constant 0 : i32
    %dma_start3A_62 = tpu.memref_slice %arg7[%dma_start3A_60, %dma_start3A_61] : memref<512x128xf32, #tpu.memory_space<vmem>> -> memref<128x128xf32, #tpu.memory_space<vmem>>
    %dma_start3A_63 = arith.constant 0 : i32
    %dma_start3A_64 = tpu.memref_slice %arg2[%add3A_54, %dma_start3A_63] : memref<16384x128xf32, #tpu.memory_space<hbm>> -> memref<128x128xf32, #tpu.memory_space<hbm>>
    tpu.enqueue_dma source(%dma_start3A_64 : memref<128x128xf32, #tpu.memory_space<hbm>>) target(%dma_start3A_62 : memref<128x128xf32, #tpu.memory_space<vmem>>) target_semaphore(%arg17 : memref<!tpu.dma_semaphore, #tpu.memory_space<semaphore_mem>>)
    %dma_wait3A = arith.constant 0 : i32
    %dma_wait3A_65 = tpu.memref_slice %arg6[%dma_wait3A] : memref<512xi32, #tpu.memory_space<vmem>> -> memref<128xi32, #tpu.memory_space<vmem>>
    %dma_wait3A_66 = arith.constant 0 : i32
    %dma_wait3A_67 = arith.constant 0 : i32
    %dma_wait3A_68 = tpu.memref_slice %arg4[%dma_wait3A_66, %dma_wait3A_67] : memref<1000x128xf32, #tpu.memory_space<hbm>> -> memref<1000x128xf32, #tpu.memory_space<hbm>>
    tpu.wait_indirect_dma semaphore(%arg11 : memref<!tpu.dma_semaphore, #tpu.memory_space<semaphore_mem>>) src(%dma_wait3A_68 : memref<1000x128xf32, #tpu.memory_space<hbm>>) dst(%arg8 : memref<128x128xf32, #tpu.memory_space<vmem>>)
    %dma_wait3A_69 = arith.constant 0 : i32
    %dma_wait3A_70 = arith.constant 0 : i32
    %dma_wait3A_71 = tpu.memref_slice %arg7[%dma_wait3A_69, %dma_wait3A_70] : memref<512x128xf32, #tpu.memory_space<vmem>> -> memref<128x128xf32, #tpu.memory_space<vmem>>
    %dma_wait3A_72 = arith.constant 0 : i32
    %dma_wait3A_73 = tpu.memref_slice %arg2[%add3A_8, %dma_wait3A_72] : memref<16384x128xf32, #tpu.memory_space<hbm>> -> memref<128x128xf32, #tpu.memory_space<hbm>>
    %dma_wait3A_74 = arith.constant 0 : i32
    %dma_wait3A_75 = arith.constant 0 : i32
    %dma_wait3A_76 = tpu.memref_slice %arg7[%dma_wait3A_74, %dma_wait3A_75] : memref<512x128xf32, #tpu.memory_space<vmem>> -> memref<128x128xf32, #tpu.memory_space<vmem>>
    %dma_wait3A_77 = arith.constant 0 : i32
    %dma_wait3A_78 = tpu.memref_slice %arg2[%add3A_8, %dma_wait3A_77] : memref<16384x128xf32, #tpu.memory_space<hbm>> -> memref<128x128xf32, #tpu.memory_space<hbm>>
    tpu.wait_dma2 semaphore(%arg14 : memref<!tpu.dma_semaphore, #tpu.memory_space<semaphore_mem>>) src(%dma_wait3A_78 : memref<128x128xf32, #tpu.memory_space<hbm>>) dst(%dma_wait3A_76 : memref<128x128xf32, #tpu.memory_space<vmem>>)
    %parallel_loop3A = arith.constant 0 : i32
    %parallel_loop3A_79 = arith.constant 128 : i32
    %parallel_loop3A_80 = arith.constant 1 : i32
    scf.for %parallel_loop3A_228 = %parallel_loop3A to %parallel_loop3A_79 step %parallel_loop3A_80  : i32 {
      %parallel_loop3A_229 = arith.constant 0 : i32
      %parallel_loop3A_230 = arith.addi %parallel_loop3A_229, %parallel_loop3A_228 : i32
      %parallel_loop3A_231 = arith.index_cast %parallel_loop3A_230 : i32 to index
      %parallel_loop3A_232 = arith.constant 0 : index
      %parallel_loop3A_233 = tpu.vector_load %arg7[%parallel_loop3A_231, %parallel_loop3A_232] {strides = array<i32>} : memref<512x128xf32, #tpu.memory_space<vmem>>, vector<1x16xf32>,
      %parallel_loop3A_234 = vector.shape_cast %parallel_loop3A_233 : vector<1x16xf32> to vector<16xf32>
      %parallel_loop3A_235 = arith.index_cast %parallel_loop3A_228 : i32 to index
      %parallel_loop3A_236 = arith.constant 0 : index
      %parallel_loop3A_237 = tpu.vector_load %arg8[%parallel_loop3A_235, %parallel_loop3A_236] {strides = array<i32>} : memref<128x128xf32, #tpu.memory_space<vmem>>, vector<1x16xf32>,
      %parallel_loop3A_238 = vector.shape_cast %parallel_loop3A_237 : vector<1x16xf32> to vector<16xf32>
      %parallel_loop3A_239 = arith.mulf %parallel_loop3A_234, %parallel_loop3A_238 : vector<16xf32>
      %parallel_loop3A_240 = arith.index_cast %parallel_loop3A_230 : i32 to index
      %parallel_loop3A_241 = arith.constant 0 : index
      %parallel_loop3A_242 = tpu.vector_load %arg7[%parallel_loop3A_240, %parallel_loop3A_241] {strides = array<i32>} : memref<512x128xf32, #tpu.memory_space<vmem>>, vector<1x16xf32>,
      %parallel_loop3A_243 = vector.shape_cast %parallel_loop3A_242 : vector<1x16xf32> to vector<16xf32>
      %parallel_loop3A_244 = vector.shape_cast %parallel_loop3A_239 : vector<16xf32> to vector<1x16xf32>
      tpu.vector_store %arg7[%parallel_loop3A_240, %parallel_loop3A_241], %parallel_loop3A_244 {strides = array<i32>} : memref<512x128xf32, #tpu.memory_space<vmem>>, vector<1x16xf32>,
      %parallel_loop3A_245 = arith.index_cast %parallel_loop3A_230 : i32 to index
      %parallel_loop3A_246 = arith.constant 16 : index
      %parallel_loop3A_247 = tpu.vector_load %arg7[%parallel_loop3A_245, %parallel_loop3A_246] {strides = array<i32>} : memref<512x128xf32, #tpu.memory_space<vmem>>, vector<1x16xf32>,
      %parallel_loop3A_248 = vector.shape_cast %parallel_loop3A_247 : vector<1x16xf32> to vector<16xf32>
      %parallel_loop3A_249 = arith.index_cast %parallel_loop3A_228 : i32 to index
      %parallel_loop3A_250 = arith.constant 16 : index
      %parallel_loop3A_251 = tpu.vector_load %arg8[%parallel_loop3A_249, %parallel_loop3A_250] {strides = array<i32>} : memref<128x128xf32, #tpu.memory_space<vmem>>, vector<1x16xf32>,
      %parallel_loop3A_252 = vector.shape_cast %parallel_loop3A_251 : vector<1x16xf32> to vector<16xf32>
      %parallel_loop3A_253 = arith.mulf %parallel_loop3A_248, %parallel_loop3A_252 : vector<16xf32>
      %parallel_loop3A_254 = arith.index_cast %parallel_loop3A_230 : i32 to index
      %parallel_loop3A_255 = arith.constant 16 : index
      %parallel_loop3A_256 = tpu.vector_load %arg7[%parallel_loop3A_254, %parallel_loop3A_255] {strides = array<i32>} : memref<512x128xf32, #tpu.memory_space<vmem>>, vector<1x16xf32>,
      %parallel_loop3A_257 = vector.shape_cast %parallel_loop3A_256 : vector<1x16xf32> to vector<16xf32>
      %parallel_loop3A_258 = vector.shape_cast %parallel_loop3A_253 : vector<16xf32> to vector<1x16xf32>
      tpu.vector_store %arg7[%parallel_loop3A_254, %parallel_loop3A_255], %parallel_loop3A_258 {strides = array<i32>} : memref<512x128xf32, #tpu.memory_space<vmem>>, vector<1x16xf32>,
      %parallel_loop3A_259 = arith.index_cast %parallel_loop3A_230 : i32 to index
      %parallel_loop3A_260 = arith.constant 32 : index
      %parallel_loop3A_261 = tpu.vector_load %arg7[%parallel_loop3A_259, %parallel_loop3A_260] {strides = array<i32>} : memref<512x128xf32, #tpu.memory_space<vmem>>, vector<1x16xf32>,
      %parallel_loop3A_262 = vector.shape_cast %parallel_loop3A_261 : vector<1x16xf32> to vector<16xf32>
      %parallel_loop3A_263 = arith.index_cast %parallel_loop3A_228 : i32 to index
      %parallel_loop3A_264 = arith.constant 32 : index
      %parallel_loop3A_265 = tpu.vector_load %arg8[%parallel_loop3A_263, %parallel_loop3A_264] {strides = array<i32>} : memref<128x128xf32, #tpu.memory_space<vmem>>, vector<1x16xf32>,
      %parallel_loop3A_266 = vector.shape_cast %parallel_loop3A_265 : vector<1x16xf32> to vector<16xf32>
      %parallel_loop3A_267 = arith.mulf %parallel_loop3A_262, %parallel_loop3A_266 : vector<16xf32>
      %parallel_loop3A_268 = arith.index_cast %parallel_loop3A_230 : i32 to index
      %parallel_loop3A_269 = arith.constant 32 : index
      %parallel_loop3A_270 = tpu.vector_load %arg7[%parallel_loop3A_268, %parallel_loop3A_269] {strides = array<i32>} : memref<512x128xf32, #tpu.memory_space<vmem>>, vector<1x16xf32>,
      %parallel_loop3A_271 = vector.shape_cast %parallel_loop3A_270 : vector<1x16xf32> to vector<16xf32>
      %parallel_loop3A_272 = vector.shape_cast %parallel_loop3A_267 : vector<16xf32> to vector<1x16xf32>
      tpu.vector_store %arg7[%parallel_loop3A_268, %parallel_loop3A_269], %parallel_loop3A_272 {strides = array<i32>} : memref<512x128xf32, #tpu.memory_space<vmem>>, vector<1x16xf32>,
      %parallel_loop3A_273 = arith.index_cast %parallel_loop3A_230 : i32 to index
      %parallel_loop3A_274 = arith.constant 48 : index
      %parallel_loop3A_275 = tpu.vector_load %arg7[%parallel_loop3A_273, %parallel_loop3A_274] {strides = array<i32>} : memref<512x128xf32, #tpu.memory_space<vmem>>, vector<1x16xf32>,
      %parallel_loop3A_276 = vector.shape_cast %parallel_loop3A_275 : vector<1x16xf32> to vector<16xf32>
      %parallel_loop3A_277 = arith.index_cast %parallel_loop3A_228 : i32 to index
      %parallel_loop3A_278 = arith.constant 48 : index
      %parallel_loop3A_279 = tpu.vector_load %arg8[%parallel_loop3A_277, %parallel_loop3A_278] {strides = array<i32>} : memref<128x128xf32, #tpu.memory_space<vmem>>, vector<1x16xf32>,
      %parallel_loop3A_280 = vector.shape_cast %parallel_loop3A_279 : vector<1x16xf32> to vector<16xf32>
      %parallel_loop3A_281 = arith.mulf %parallel_loop3A_276, %parallel_loop3A_280 : vector<16xf32>
      %parallel_loop3A_282 = arith.index_cast %parallel_loop3A_230 : i32 to index
      %parallel_loop3A_283 = arith.constant 48 : index
      %parallel_loop3A_284 = tpu.vector_load %arg7[%parallel_loop3A_282, %parallel_loop3A_283] {strides = array<i32>} : memref<512x128xf32, #tpu.memory_space<vmem>>, vector<1x16xf32>,
      %parallel_loop3A_285 = vector.shape_cast %parallel_loop3A_284 : vector<1x16xf32> to vector<16xf32>
      %parallel_loop3A_286 = vector.shape_cast %parallel_loop3A_281 : vector<16xf32> to vector<1x16xf32>
      tpu.vector_store %arg7[%parallel_loop3A_282, %parallel_loop3A_283], %parallel_loop3A_286 {strides = array<i32>} : memref<512x128xf32, #tpu.memory_space<vmem>>, vector<1x16xf32>,
      %parallel_loop3A_287 = arith.index_cast %parallel_loop3A_230 : i32 to index
      %parallel_loop3A_288 = arith.constant 64 : index
      %parallel_loop3A_289 = tpu.vector_load %arg7[%parallel_loop3A_287, %parallel_loop3A_288] {strides = array<i32>} : memref<512x128xf32, #tpu.memory_space<vmem>>, vector<1x16xf32>,
      %parallel_loop3A_290 = vector.shape_cast %parallel_loop3A_289 : vector<1x16xf32> to vector<16xf32>
      %parallel_loop3A_291 = arith.index_cast %parallel_loop3A_228 : i32 to index
      %parallel_loop3A_292 = arith.constant 64 : index
      %parallel_loop3A_293 = tpu.vector_load %arg8[%parallel_loop3A_291, %parallel_loop3A_292] {strides = array<i32>} : memref<128x128xf32, #tpu.memory_space<vmem>>, vector<1x16xf32>,
      %parallel_loop3A_294 = vector.shape_cast %parallel_loop3A_293 : vector<1x16xf32> to vector<16xf32>
      %parallel_loop3A_295 = arith.mulf %parallel_loop3A_290, %parallel_loop3A_294 : vector<16xf32>
      %parallel_loop3A_296 = arith.index_cast %parallel_loop3A_230 : i32 to index
      %parallel_loop3A_297 = arith.constant 64 : index
      %parallel_loop3A_298 = tpu.vector_load %arg7[%parallel_loop3A_296, %parallel_loop3A_297] {strides = array<i32>} : memref<512x128xf32, #tpu.memory_space<vmem>>, vector<1x16xf32>,
      %parallel_loop3A_299 = vector.shape_cast %parallel_loop3A_298 : vector<1x16xf32> to vector<16xf32>
      %parallel_loop3A_300 = vector.shape_cast %parallel_loop3A_295 : vector<16xf32> to vector<1x16xf32>
      tpu.vector_store %arg7[%parallel_loop3A_296, %parallel_loop3A_297], %parallel_loop3A_300 {strides = array<i32>} : memref<512x128xf32, #tpu.memory_space<vmem>>, vector<1x16xf32>,
      %parallel_loop3A_301 = arith.index_cast %parallel_loop3A_230 : i32 to index
      %parallel_loop3A_302 = arith.constant 80 : index
      %parallel_loop3A_303 = tpu.vector_load %arg7[%parallel_loop3A_301, %parallel_loop3A_302] {strides = array<i32>} : memref<512x128xf32, #tpu.memory_space<vmem>>, vector<1x16xf32>,
      %parallel_loop3A_304 = vector.shape_cast %parallel_loop3A_303 : vector<1x16xf32> to vector<16xf32>
      %parallel_loop3A_305 = arith.index_cast %parallel_loop3A_228 : i32 to index
      %parallel_loop3A_306 = arith.constant 80 : index
      %parallel_loop3A_307 = tpu.vector_load %arg8[%parallel_loop3A_305, %parallel_loop3A_306] {strides = array<i32>} : memref<128x128xf32, #tpu.memory_space<vmem>>, vector<1x16xf32>,
      %parallel_loop3A_308 = vector.shape_cast %parallel_loop3A_307 : vector<1x16xf32> to vector<16xf32>
      %parallel_loop3A_309 = arith.mulf %parallel_loop3A_304, %parallel_loop3A_308 : vector<16xf32>
      %parallel_loop3A_310 = arith.index_cast %parallel_loop3A_230 : i32 to index
      %parallel_loop3A_311 = arith.constant 80 : index
      %parallel_loop3A_312 = tpu.vector_load %arg7[%parallel_loop3A_310, %parallel_loop3A_311] {strides = array<i32>} : memref<512x128xf32, #tpu.memory_space<vmem>>, vector<1x16xf32>,
      %parallel_loop3A_313 = vector.shape_cast %parallel_loop3A_312 : vector<1x16xf32> to vector<16xf32>
      %parallel_loop3A_314 = vector.shape_cast %parallel_loop3A_309 : vector<16xf32> to vector<1x16xf32>
      tpu.vector_store %arg7[%parallel_loop3A_310, %parallel_loop3A_311], %parallel_loop3A_314 {strides = array<i32>} : memref<512x128xf32, #tpu.memory_space<vmem>>, vector<1x16xf32>,
      %parallel_loop3A_315 = arith.index_cast %parallel_loop3A_230 : i32 to index
      %parallel_loop3A_316 = arith.constant 96 : index
      %parallel_loop3A_317 = tpu.vector_load %arg7[%parallel_loop3A_315, %parallel_loop3A_316] {strides = array<i32>} : memref<512x128xf32, #tpu.memory_space<vmem>>, vector<1x16xf32>,
      %parallel_loop3A_318 = vector.shape_cast %parallel_loop3A_317 : vector<1x16xf32> to vector<16xf32>
      %parallel_loop3A_319 = arith.index_cast %parallel_loop3A_228 : i32 to index
      %parallel_loop3A_320 = arith.constant 96 : index
      %parallel_loop3A_321 = tpu.vector_load %arg8[%parallel_loop3A_319, %parallel_loop3A_320] {strides = array<i32>} : memref<128x128xf32, #tpu.memory_space<vmem>>, vector<1x16xf32>,
      %parallel_loop3A_322 = vector.shape_cast %parallel_loop3A_321 : vector<1x16xf32> to vector<16xf32>
      %parallel_loop3A_323 = arith.mulf %parallel_loop3A_318, %parallel_loop3A_322 : vector<16xf32>
      %parallel_loop3A_324 = arith.index_cast %parallel_loop3A_230 : i32 to index
      %parallel_loop3A_325 = arith.constant 96 : index
      %parallel_loop3A_326 = tpu.vector_load %arg7[%parallel_loop3A_324, %parallel_loop3A_325] {strides = array<i32>} : memref<512x128xf32, #tpu.memory_space<vmem>>, vector<1x16xf32>,
      %parallel_loop3A_327 = vector.shape_cast %parallel_loop3A_326 : vector<1x16xf32> to vector<16xf32>
      %parallel_loop3A_328 = vector.shape_cast %parallel_loop3A_323 : vector<16xf32> to vector<1x16xf32>
      tpu.vector_store %arg7[%parallel_loop3A_324, %parallel_loop3A_325], %parallel_loop3A_328 {strides = array<i32>} : memref<512x128xf32, #tpu.memory_space<vmem>>, vector<1x16xf32>,
      %parallel_loop3A_329 = arith.index_cast %parallel_loop3A_230 : i32 to index
      %parallel_loop3A_330 = arith.constant 112 : index
      %parallel_loop3A_331 = tpu.vector_load %arg7[%parallel_loop3A_329, %parallel_loop3A_330] {strides = array<i32>} : memref<512x128xf32, #tpu.memory_space<vmem>>, vector<1x16xf32>,
      %parallel_loop3A_332 = vector.shape_cast %parallel_loop3A_331 : vector<1x16xf32> to vector<16xf32>
      %parallel_loop3A_333 = arith.index_cast %parallel_loop3A_228 : i32 to index
      %parallel_loop3A_334 = arith.constant 112 : index
      %parallel_loop3A_335 = tpu.vector_load %arg8[%parallel_loop3A_333, %parallel_loop3A_334] {strides = array<i32>} : memref<128x128xf32, #tpu.memory_space<vmem>>, vector<1x16xf32>,
      %parallel_loop3A_336 = vector.shape_cast %parallel_loop3A_335 : vector<1x16xf32> to vector<16xf32>
      %parallel_loop3A_337 = arith.mulf %parallel_loop3A_332, %parallel_loop3A_336 : vector<16xf32>
      %parallel_loop3A_338 = arith.index_cast %parallel_loop3A_230 : i32 to index
      %parallel_loop3A_339 = arith.constant 112 : index
      %parallel_loop3A_340 = tpu.vector_load %arg7[%parallel_loop3A_338, %parallel_loop3A_339] {strides = array<i32>} : memref<512x128xf32, #tpu.memory_space<vmem>>, vector<1x16xf32>,
      %parallel_loop3A_341 = vector.shape_cast %parallel_loop3A_340 : vector<1x16xf32> to vector<16xf32>
      %parallel_loop3A_342 = vector.shape_cast %parallel_loop3A_337 : vector<16xf32> to vector<1x16xf32>
      tpu.vector_store %arg7[%parallel_loop3A_338, %parallel_loop3A_339], %parallel_loop3A_342 {strides = array<i32>} : memref<512x128xf32, #tpu.memory_space<vmem>>, vector<1x16xf32>,
    } {sc.loop_unroll_factor = 2 : i64, sc.parallel_access}
    %add3A_81 = arith.constant 0 : i32
    %add3A_82 = arith.addi %mul3A_2, %add3A_81 : i32
    %dma_start3A_83 = arith.constant 0 : i32
    %dma_start3A_84 = arith.constant 0 : i32
    %dma_start3A_85 = tpu.memref_slice %arg7[%dma_start3A_83, %dma_start3A_84] : memref<512x128xf32, #tpu.memory_space<vmem>> -> memref<128x128xf32, #tpu.memory_space<vmem>>
    %dma_start3A_86 = arith.constant 0 : i32
    %dma_start3A_87 = tpu.memref_slice %arg5[%add3A_82, %dma_start3A_86] : memref<16384x128xf32, #tpu.memory_space<hbm>> -> memref<128x128xf32, #tpu.memory_space<hbm>>
    %dma_start3A_88 = arith.constant 0 : i32
    %dma_start3A_89 = tpu.memref_slice %arg5[%add3A_82, %dma_start3A_88] : memref<16384x128xf32, #tpu.memory_space<hbm>> -> memref<128x128xf32, #tpu.memory_space<hbm>>
    %dma_start3A_90 = arith.constant 0 : i32
    %dma_start3A_91 = arith.constant 0 : i32
    %dma_start3A_92 = tpu.memref_slice %arg7[%dma_start3A_90, %dma_start3A_91] : memref<512x128xf32, #tpu.memory_space<vmem>> -> memref<128x128xf32, #tpu.memory_space<vmem>>
    tpu.enqueue_dma source(%dma_start3A_92 : memref<128x128xf32, #tpu.memory_space<vmem>>) target(%dma_start3A_89 : memref<128x128xf32, #tpu.memory_space<hbm>>) target_semaphore(%arg18 : memref<!tpu.dma_semaphore, #tpu.memory_space<semaphore_mem>>)
    %dma_start3A_93 = arith.constant 384 : i32
    %dma_start3A_94 = tpu.memref_slice %arg6[%dma_start3A_93] : memref<512xi32, #tpu.memory_space<vmem>> -> memref<128xi32, #tpu.memory_space<vmem>>
    %dma_start3A_95 = arith.constant 0 : i32
    %dma_start3A_96 = arith.constant 0 : i32
    %dma_start3A_97 = tpu.memref_slice %arg4[%dma_start3A_95, %dma_start3A_96] : memref<1000x128xf32, #tpu.memory_space<hbm>> -> memref<1000x128xf32, #tpu.memory_space<hbm>>
    tpu.enqueue_indirect_dma source(%dma_start3A_97 : memref<1000x128xf32, #tpu.memory_space<hbm>>) target(%arg8 : memref<128x128xf32, #tpu.memory_space<vmem>>) offsets(%dma_start3A_94 : memref<128xi32, #tpu.memory_space<vmem>>) semaphore(%arg11 : memref<!tpu.dma_semaphore, #tpu.memory_space<semaphore_mem>>)
    %dma_wait3A_98 = arith.constant 128 : i32
    %dma_wait3A_99 = tpu.memref_slice %arg6[%dma_wait3A_98] : memref<512xi32, #tpu.memory_space<vmem>> -> memref<128xi32, #tpu.memory_space<vmem>>
    %dma_wait3A_100 = arith.constant 0 : i32
    %dma_wait3A_101 = arith.constant 0 : i32
    %dma_wait3A_102 = tpu.memref_slice %arg4[%dma_wait3A_100, %dma_wait3A_101] : memref<1000x128xf32, #tpu.memory_space<hbm>> -> memref<1000x128xf32, #tpu.memory_space<hbm>>
    tpu.wait_indirect_dma semaphore(%arg12 : memref<!tpu.dma_semaphore, #tpu.memory_space<semaphore_mem>>) src(%dma_wait3A_102 : memref<1000x128xf32, #tpu.memory_space<hbm>>) dst(%arg9 : memref<128x128xf32, #tpu.memory_space<vmem>>)
    %dma_wait3A_103 = arith.constant 128 : i32
    %dma_wait3A_104 = arith.constant 0 : i32
    %dma_wait3A_105 = tpu.memref_slice %arg7[%dma_wait3A_103, %dma_wait3A_104] : memref<512x128xf32, #tpu.memory_space<vmem>> -> memref<128x128xf32, #tpu.memory_space<vmem>>
    %dma_wait3A_106 = arith.constant 0 : i32
    %dma_wait3A_107 = tpu.memref_slice %arg2[%add3A_25, %dma_wait3A_106] : memref<16384x128xf32, #tpu.memory_space<hbm>> -> memref<128x128xf32, #tpu.memory_space<hbm>>
    %dma_wait3A_108 = arith.constant 128 : i32
    %dma_wait3A_109 = arith.constant 0 : i32
    %dma_wait3A_110 = tpu.memref_slice %arg7[%dma_wait3A_108, %dma_wait3A_109] : memref<512x128xf32, #tpu.memory_space<vmem>> -> memref<128x128xf32, #tpu.memory_space<vmem>>
    %dma_wait3A_111 = arith.constant 0 : i32
    %dma_wait3A_112 = tpu.memref_slice %arg2[%add3A_25, %dma_wait3A_111] : memref<16384x128xf32, #tpu.memory_space<hbm>> -> memref<128x128xf32, #tpu.memory_space<hbm>>
    tpu.wait_dma2 semaphore(%arg15 : memref<!tpu.dma_semaphore, #tpu.memory_space<semaphore_mem>>) src(%dma_wait3A_112 : memref<128x128xf32, #tpu.memory_space<hbm>>) dst(%dma_wait3A_110 : memref<128x128xf32, #tpu.memory_space<vmem>>)
    %parallel_loop3A_113 = arith.constant 0 : i32
    %parallel_loop3A_114 = arith.constant 128 : i32
    %parallel_loop3A_115 = arith.constant 1 : i32
    scf.for %parallel_loop3A_228 = %parallel_loop3A_113 to %parallel_loop3A_114 step %parallel_loop3A_115  : i32 {
      %parallel_loop3A_229 = arith.constant 128 : i32
      %parallel_loop3A_230 = arith.addi %parallel_loop3A_229, %parallel_loop3A_228 : i32
      %parallel_loop3A_231 = arith.index_cast %parallel_loop3A_230 : i32 to index
      %parallel_loop3A_232 = arith.constant 0 : index
      %parallel_loop3A_233 = tpu.vector_load %arg7[%parallel_loop3A_231, %parallel_loop3A_232] {strides = array<i32>} : memref<512x128xf32, #tpu.memory_space<vmem>>, vector<1x16xf32>,
      %parallel_loop3A_234 = vector.shape_cast %parallel_loop3A_233 : vector<1x16xf32> to vector<16xf32>
      %parallel_loop3A_235 = arith.index_cast %parallel_loop3A_228 : i32 to index
      %parallel_loop3A_236 = arith.constant 0 : index
      %parallel_loop3A_237 = tpu.vector_load %arg9[%parallel_loop3A_235, %parallel_loop3A_236] {strides = array<i32>} : memref<128x128xf32, #tpu.memory_space<vmem>>, vector<1x16xf32>,
      %parallel_loop3A_238 = vector.shape_cast %parallel_loop3A_237 : vector<1x16xf32> to vector<16xf32>
      %parallel_loop3A_239 = arith.mulf %parallel_loop3A_234, %parallel_loop3A_238 : vector<16xf32>
      %parallel_loop3A_240 = arith.index_cast %parallel_loop3A_230 : i32 to index
      %parallel_loop3A_241 = arith.constant 0 : index
      %parallel_loop3A_242 = tpu.vector_load %arg7[%parallel_loop3A_240, %parallel_loop3A_241] {strides = array<i32>} : memref<512x128xf32, #tpu.memory_space<vmem>>, vector<1x16xf32>,
      %parallel_loop3A_243 = vector.shape_cast %parallel_loop3A_242 : vector<1x16xf32> to vector<16xf32>
      %parallel_loop3A_244 = vector.shape_cast %parallel_loop3A_239 : vector<16xf32> to vector<1x16xf32>
      tpu.vector_store %arg7[%parallel_loop3A_240, %parallel_loop3A_241], %parallel_loop3A_244 {strides = array<i32>} : memref<512x128xf32, #tpu.memory_space<vmem>>, vector<1x16xf32>,
      %parallel_loop3A_245 = arith.index_cast %parallel_loop3A_230 : i32 to index
      %parallel_loop3A_246 = arith.constant 16 : index
      %parallel_loop3A_247 = tpu.vector_load %arg7[%parallel_loop3A_245, %parallel_loop3A_246] {strides = array<i32>} : memref<512x128xf32, #tpu.memory_space<vmem>>, vector<1x16xf32>,
      %parallel_loop3A_248 = vector.shape_cast %parallel_loop3A_247 : vector<1x16xf32> to vector<16xf32>
      %parallel_loop3A_249 = arith.index_cast %parallel_loop3A_228 : i32 to index
      %parallel_loop3A_250 = arith.constant 16 : index
      %parallel_loop3A_251 = tpu.vector_load %arg9[%parallel_loop3A_249, %parallel_loop3A_250] {strides = array<i32>} : memref<128x128xf32, #tpu.memory_space<vmem>>, vector<1x16xf32>,
      %parallel_loop3A_252 = vector.shape_cast %parallel_loop3A_251 : vector<1x16xf32> to vector<16xf32>
      %parallel_loop3A_253 = arith.mulf %parallel_loop3A_248, %parallel_loop3A_252 : vector<16xf32>
      %parallel_loop3A_254 = arith.index_cast %parallel_loop3A_230 : i32 to index
      %parallel_loop3A_255 = arith.constant 16 : index
      %parallel_loop3A_256 = tpu.vector_load %arg7[%parallel_loop3A_254, %parallel_loop3A_255] {strides = array<i32>} : memref<512x128xf32, #tpu.memory_space<vmem>>, vector<1x16xf32>,
      %parallel_loop3A_257 = vector.shape_cast %parallel_loop3A_256 : vector<1x16xf32> to vector<16xf32>
      %parallel_loop3A_258 = vector.shape_cast %parallel_loop3A_253 : vector<16xf32> to vector<1x16xf32>
      tpu.vector_store %arg7[%parallel_loop3A_254, %parallel_loop3A_255], %parallel_loop3A_258 {strides = array<i32>} : memref<512x128xf32, #tpu.memory_space<vmem>>, vector<1x16xf32>,
      %parallel_loop3A_259 = arith.index_cast %parallel_loop3A_230 : i32 to index
      %parallel_loop3A_260 = arith.constant 32 : index
      %parallel_loop3A_261 = tpu.vector_load %arg7[%parallel_loop3A_259, %parallel_loop3A_260] {strides = array<i32>} : memref<512x128xf32, #tpu.memory_space<vmem>>, vector<1x16xf32>,
      %parallel_loop3A_262 = vector.shape_cast %parallel_loop3A_261 : vector<1x16xf32> to vector<16xf32>
      %parallel_loop3A_263 = arith.index_cast %parallel_loop3A_228 : i32 to index
      %parallel_loop3A_264 = arith.constant 32 : index
      %parallel_loop3A_265 = tpu.vector_load %arg9[%parallel_loop3A_263, %parallel_loop3A_264] {strides = array<i32>} : memref<128x128xf32, #tpu.memory_space<vmem>>, vector<1x16xf32>,
      %parallel_loop3A_266 = vector.shape_cast %parallel_loop3A_265 : vector<1x16xf32> to vector<16xf32>
      %parallel_loop3A_267 = arith.mulf %parallel_loop3A_262, %parallel_loop3A_266 : vector<16xf32>
      %parallel_loop3A_268 = arith.index_cast %parallel_loop3A_230 : i32 to index
      %parallel_loop3A_269 = arith.constant 32 : index
      %parallel_loop3A_270 = tpu.vector_load %arg7[%parallel_loop3A_268, %parallel_loop3A_269] {strides = array<i32>} : memref<512x128xf32, #tpu.memory_space<vmem>>, vector<1x16xf32>,
      %parallel_loop3A_271 = vector.shape_cast %parallel_loop3A_270 : vector<1x16xf32> to vector<16xf32>
      %parallel_loop3A_272 = vector.shape_cast %parallel_loop3A_267 : vector<16xf32> to vector<1x16xf32>
      tpu.vector_store %arg7[%parallel_loop3A_268, %parallel_loop3A_269], %parallel_loop3A_272 {strides = array<i32>} : memref<512x128xf32, #tpu.memory_space<vmem>>, vector<1x16xf32>,
      %parallel_loop3A_273 = arith.index_cast %parallel_loop3A_230 : i32 to index
      %parallel_loop3A_274 = arith.constant 48 : index
      %parallel_loop3A_275 = tpu.vector_load %arg7[%parallel_loop3A_273, %parallel_loop3A_274] {strides = array<i32>} : memref<512x128xf32, #tpu.memory_space<vmem>>, vector<1x16xf32>,
      %parallel_loop3A_276 = vector.shape_cast %parallel_loop3A_275 : vector<1x16xf32> to vector<16xf32>
      %parallel_loop3A_277 = arith.index_cast %parallel_loop3A_228 : i32 to index
      %parallel_loop3A_278 = arith.constant 48 : index
      %parallel_loop3A_279 = tpu.vector_load %arg9[%parallel_loop3A_277, %parallel_loop3A_278] {strides = array<i32>} : memref<128x128xf32, #tpu.memory_space<vmem>>, vector<1x16xf32>,
      %parallel_loop3A_280 = vector.shape_cast %parallel_loop3A_279 : vector<1x16xf32> to vector<16xf32>
      %parallel_loop3A_281 = arith.mulf %parallel_loop3A_276, %parallel_loop3A_280 : vector<16xf32>
      %parallel_loop3A_282 = arith.index_cast %parallel_loop3A_230 : i32 to index
      %parallel_loop3A_283 = arith.constant 48 : index
      %parallel_loop3A_284 = tpu.vector_load %arg7[%parallel_loop3A_282, %parallel_loop3A_283] {strides = array<i32>} : memref<512x128xf32, #tpu.memory_space<vmem>>, vector<1x16xf32>,
      %parallel_loop3A_285 = vector.shape_cast %parallel_loop3A_284 : vector<1x16xf32> to vector<16xf32>
      %parallel_loop3A_286 = vector.shape_cast %parallel_loop3A_281 : vector<16xf32> to vector<1x16xf32>
      tpu.vector_store %arg7[%parallel_loop3A_282, %parallel_loop3A_283], %parallel_loop3A_286 {strides = array<i32>} : memref<512x128xf32, #tpu.memory_space<vmem>>, vector<1x16xf32>,
      %parallel_loop3A_287 = arith.index_cast %parallel_loop3A_230 : i32 to index
      %parallel_loop3A_288 = arith.constant 64 : index
      %parallel_loop3A_289 = tpu.vector_load %arg7[%parallel_loop3A_287, %parallel_loop3A_288] {strides = array<i32>} : memref<512x128xf32, #tpu.memory_space<vmem>>, vector<1x16xf32>,
      %parallel_loop3A_290 = vector.shape_cast %parallel_loop3A_289 : vector<1x16xf32> to vector<16xf32>
      %parallel_loop3A_291 = arith.index_cast %parallel_loop3A_228 : i32 to index
      %parallel_loop3A_292 = arith.constant 64 : index
      %parallel_loop3A_293 = tpu.vector_load %arg9[%parallel_loop3A_291, %parallel_loop3A_292] {strides = array<i32>} : memref<128x128xf32, #tpu.memory_space<vmem>>, vector<1x16xf32>,
      %parallel_loop3A_294 = vector.shape_cast %parallel_loop3A_293 : vector<1x16xf32> to vector<16xf32>
      %parallel_loop3A_295 = arith.mulf %parallel_loop3A_290, %parallel_loop3A_294 : vector<16xf32>
      %parallel_loop3A_296 = arith.index_cast %parallel_loop3A_230 : i32 to index
      %parallel_loop3A_297 = arith.constant 64 : index
      %parallel_loop3A_298 = tpu.vector_load %arg7[%parallel_loop3A_296, %parallel_loop3A_297] {strides = array<i32>} : memref<512x128xf32, #tpu.memory_space<vmem>>, vector<1x16xf32>,
      %parallel_loop3A_299 = vector.shape_cast %parallel_loop3A_298 : vector<1x16xf32> to vector<16xf32>
      %parallel_loop3A_300 = vector.shape_cast %parallel_loop3A_295 : vector<16xf32> to vector<1x16xf32>
      tpu.vector_store %arg7[%parallel_loop3A_296, %parallel_loop3A_297], %parallel_loop3A_300 {strides = array<i32>} : memref<512x128xf32, #tpu.memory_space<vmem>>, vector<1x16xf32>,
      %parallel_loop3A_301 = arith.index_cast %parallel_loop3A_230 : i32 to index
      %parallel_loop3A_302 = arith.constant 80 : index
      %parallel_loop3A_303 = tpu.vector_load %arg7[%parallel_loop3A_301, %parallel_loop3A_302] {strides = array<i32>} : memref<512x128xf32, #tpu.memory_space<vmem>>, vector<1x16xf32>,
      %parallel_loop3A_304 = vector.shape_cast %parallel_loop3A_303 : vector<1x16xf32> to vector<16xf32>
      %parallel_loop3A_305 = arith.index_cast %parallel_loop3A_228 : i32 to index
      %parallel_loop3A_306 = arith.constant 80 : index
      %parallel_loop3A_307 = tpu.vector_load %arg9[%parallel_loop3A_305, %parallel_loop3A_306] {strides = array<i32>} : memref<128x128xf32, #tpu.memory_space<vmem>>, vector<1x16xf32>,
      %parallel_loop3A_308 = vector.shape_cast %parallel_loop3A_307 : vector<1x16xf32> to vector<16xf32>
      %parallel_loop3A_309 = arith.mulf %parallel_loop3A_304, %parallel_loop3A_308 : vector<16xf32>
      %parallel_loop3A_310 = arith.index_cast %parallel_loop3A_230 : i32 to index
      %parallel_loop3A_311 = arith.constant 80 : index
      %parallel_loop3A_312 = tpu.vector_load %arg7[%parallel_loop3A_310, %parallel_loop3A_311] {strides = array<i32>} : memref<512x128xf32, #tpu.memory_space<vmem>>, vector<1x16xf32>,
      %parallel_loop3A_313 = vector.shape_cast %parallel_loop3A_312 : vector<1x16xf32> to vector<16xf32>
      %parallel_loop3A_314 = vector.shape_cast %parallel_loop3A_309 : vector<16xf32> to vector<1x16xf32>
      tpu.vector_store %arg7[%parallel_loop3A_310, %parallel_loop3A_311], %parallel_loop3A_314 {strides = array<i32>} : memref<512x128xf32, #tpu.memory_space<vmem>>, vector<1x16xf32>,
      %parallel_loop3A_315 = arith.index_cast %parallel_loop3A_230 : i32 to index
      %parallel_loop3A_316 = arith.constant 96 : index
      %parallel_loop3A_317 = tpu.vector_load %arg7[%parallel_loop3A_315, %parallel_loop3A_316] {strides = array<i32>} : memref<512x128xf32, #tpu.memory_space<vmem>>, vector<1x16xf32>,
      %parallel_loop3A_318 = vector.shape_cast %parallel_loop3A_317 : vector<1x16xf32> to vector<16xf32>
      %parallel_loop3A_319 = arith.index_cast %parallel_loop3A_228 : i32 to index
      %parallel_loop3A_320 = arith.constant 96 : index
      %parallel_loop3A_321 = tpu.vector_load %arg9[%parallel_loop3A_319, %parallel_loop3A_320] {strides = array<i32>} : memref<128x128xf32, #tpu.memory_space<vmem>>, vector<1x16xf32>,
      %parallel_loop3A_322 = vector.shape_cast %parallel_loop3A_321 : vector<1x16xf32> to vector<16xf32>
      %parallel_loop3A_323 = arith.mulf %parallel_loop3A_318, %parallel_loop3A_322 : vector<16xf32>
      %parallel_loop3A_324 = arith.index_cast %parallel_loop3A_230 : i32 to index
      %parallel_loop3A_325 = arith.constant 96 : index
      %parallel_loop3A_326 = tpu.vector_load %arg7[%parallel_loop3A_324, %parallel_loop3A_325] {strides = array<i32>} : memref<512x128xf32, #tpu.memory_space<vmem>>, vector<1x16xf32>,
      %parallel_loop3A_327 = vector.shape_cast %parallel_loop3A_326 : vector<1x16xf32> to vector<16xf32>
      %parallel_loop3A_328 = vector.shape_cast %parallel_loop3A_323 : vector<16xf32> to vector<1x16xf32>
      tpu.vector_store %arg7[%parallel_loop3A_324, %parallel_loop3A_325], %parallel_loop3A_328 {strides = array<i32>} : memref<512x128xf32, #tpu.memory_space<vmem>>, vector<1x16xf32>,
      %parallel_loop3A_329 = arith.index_cast %parallel_loop3A_230 : i32 to index
      %parallel_loop3A_330 = arith.constant 112 : index
      %parallel_loop3A_331 = tpu.vector_load %arg7[%parallel_loop3A_329, %parallel_loop3A_330] {strides = array<i32>} : memref<512x128xf32, #tpu.memory_space<vmem>>, vector<1x16xf32>,
      %parallel_loop3A_332 = vector.shape_cast %parallel_loop3A_331 : vector<1x16xf32> to vector<16xf32>
      %parallel_loop3A_333 = arith.index_cast %parallel_loop3A_228 : i32 to index
      %parallel_loop3A_334 = arith.constant 112 : index
      %parallel_loop3A_335 = tpu.vector_load %arg9[%parallel_loop3A_333, %parallel_loop3A_334] {strides = array<i32>} : memref<128x128xf32, #tpu.memory_space<vmem>>, vector<1x16xf32>,
      %parallel_loop3A_336 = vector.shape_cast %parallel_loop3A_335 : vector<1x16xf32> to vector<16xf32>
      %parallel_loop3A_337 = arith.mulf %parallel_loop3A_332, %parallel_loop3A_336 : vector<16xf32>
      %parallel_loop3A_338 = arith.index_cast %parallel_loop3A_230 : i32 to index
      %parallel_loop3A_339 = arith.constant 112 : index
      %parallel_loop3A_340 = tpu.vector_load %arg7[%parallel_loop3A_338, %parallel_loop3A_339] {strides = array<i32>} : memref<512x128xf32, #tpu.memory_space<vmem>>, vector<1x16xf32>,
      %parallel_loop3A_341 = vector.shape_cast %parallel_loop3A_340 : vector<1x16xf32> to vector<16xf32>
      %parallel_loop3A_342 = vector.shape_cast %parallel_loop3A_337 : vector<16xf32> to vector<1x16xf32>
      tpu.vector_store %arg7[%parallel_loop3A_338, %parallel_loop3A_339], %parallel_loop3A_342 {strides = array<i32>} : memref<512x128xf32, #tpu.memory_space<vmem>>, vector<1x16xf32>,
    } {sc.loop_unroll_factor = 2 : i64, sc.parallel_access}
    %add3A_116 = arith.constant 128 : i32
    %add3A_117 = arith.addi %mul3A_2, %add3A_116 : i32
    %dma_start3A_118 = arith.constant 128 : i32
    %dma_start3A_119 = arith.constant 0 : i32
    %dma_start3A_120 = tpu.memref_slice %arg7[%dma_start3A_118, %dma_start3A_119] : memref<512x128xf32, #tpu.memory_space<vmem>> -> memref<128x128xf32, #tpu.memory_space<vmem>>
    %dma_start3A_121 = arith.constant 0 : i32
    %dma_start3A_122 = tpu.memref_slice %arg5[%add3A_117, %dma_start3A_121] : memref<16384x128xf32, #tpu.memory_space<hbm>> -> memref<128x128xf32, #tpu.memory_space<hbm>>
    %dma_start3A_123 = arith.constant 0 : i32
    %dma_start3A_124 = tpu.memref_slice %arg5[%add3A_117, %dma_start3A_123] : memref<16384x128xf32, #tpu.memory_space<hbm>> -> memref<128x128xf32, #tpu.memory_space<hbm>>
    %dma_start3A_125 = arith.constant 128 : i32
    %dma_start3A_126 = arith.constant 0 : i32
    %dma_start3A_127 = tpu.memref_slice %arg7[%dma_start3A_125, %dma_start3A_126] : memref<512x128xf32, #tpu.memory_space<vmem>> -> memref<128x128xf32, #tpu.memory_space<vmem>>
    tpu.enqueue_dma source(%dma_start3A_127 : memref<128x128xf32, #tpu.memory_space<vmem>>) target(%dma_start3A_124 : memref<128x128xf32, #tpu.memory_space<hbm>>) target_semaphore(%arg19 : memref<!tpu.dma_semaphore, #tpu.memory_space<semaphore_mem>>)
    %dma_wait3A_128 = arith.constant 256 : i32
    %dma_wait3A_129 = tpu.memref_slice %arg6[%dma_wait3A_128] : memref<512xi32, #tpu.memory_space<vmem>> -> memref<128xi32, #tpu.memory_space<vmem>>
    %dma_wait3A_130 = arith.constant 0 : i32
    %dma_wait3A_131 = arith.constant 0 : i32
    %dma_wait3A_132 = tpu.memref_slice %arg4[%dma_wait3A_130, %dma_wait3A_131] : memref<1000x128xf32, #tpu.memory_space<hbm>> -> memref<1000x128xf32, #tpu.memory_space<hbm>>
    tpu.wait_indirect_dma semaphore(%arg13 : memref<!tpu.dma_semaphore, #tpu.memory_space<semaphore_mem>>) src(%dma_wait3A_132 : memref<1000x128xf32, #tpu.memory_space<hbm>>) dst(%arg10 : memref<128x128xf32, #tpu.memory_space<vmem>>)
    %dma_wait3A_133 = arith.constant 256 : i32
    %dma_wait3A_134 = arith.constant 0 : i32
    %dma_wait3A_135 = tpu.memref_slice %arg7[%dma_wait3A_133, %dma_wait3A_134] : memref<512x128xf32, #tpu.memory_space<vmem>> -> memref<128x128xf32, #tpu.memory_space<vmem>>
    %dma_wait3A_136 = arith.constant 0 : i32
    %dma_wait3A_137 = tpu.memref_slice %arg2[%add3A_42, %dma_wait3A_136] : memref<16384x128xf32, #tpu.memory_space<hbm>> -> memref<128x128xf32, #tpu.memory_space<hbm>>
    %dma_wait3A_138 = arith.constant 256 : i32
    %dma_wait3A_139 = arith.constant 0 : i32
    %dma_wait3A_140 = tpu.memref_slice %arg7[%dma_wait3A_138, %dma_wait3A_139] : memref<512x128xf32, #tpu.memory_space<vmem>> -> memref<128x128xf32, #tpu.memory_space<vmem>>
    %dma_wait3A_141 = arith.constant 0 : i32
    %dma_wait3A_142 = tpu.memref_slice %arg2[%add3A_42, %dma_wait3A_141] : memref<16384x128xf32, #tpu.memory_space<hbm>> -> memref<128x128xf32, #tpu.memory_space<hbm>>
    tpu.wait_dma2 semaphore(%arg16 : memref<!tpu.dma_semaphore, #tpu.memory_space<semaphore_mem>>) src(%dma_wait3A_142 : memref<128x128xf32, #tpu.memory_space<hbm>>) dst(%dma_wait3A_140 : memref<128x128xf32, #tpu.memory_space<vmem>>)
    %parallel_loop3A_143 = arith.constant 0 : i32
    %parallel_loop3A_144 = arith.constant 128 : i32
    %parallel_loop3A_145 = arith.constant 1 : i32
    scf.for %parallel_loop3A_228 = %parallel_loop3A_143 to %parallel_loop3A_144 step %parallel_loop3A_145  : i32 {
      %parallel_loop3A_229 = arith.constant 256 : i32
      %parallel_loop3A_230 = arith.addi %parallel_loop3A_229, %parallel_loop3A_228 : i32
      %parallel_loop3A_231 = arith.index_cast %parallel_loop3A_230 : i32 to index
      %parallel_loop3A_232 = arith.constant 0 : index
      %parallel_loop3A_233 = tpu.vector_load %arg7[%parallel_loop3A_231, %parallel_loop3A_232] {strides = array<i32>} : memref<512x128xf32, #tpu.memory_space<vmem>>, vector<1x16xf32>,
      %parallel_loop3A_234 = vector.shape_cast %parallel_loop3A_233 : vector<1x16xf32> to vector<16xf32>
      %parallel_loop3A_235 = arith.index_cast %parallel_loop3A_228 : i32 to index
      %parallel_loop3A_236 = arith.constant 0 : index
      %parallel_loop3A_237 = tpu.vector_load %arg10[%parallel_loop3A_235, %parallel_loop3A_236] {strides = array<i32>} : memref<128x128xf32, #tpu.memory_space<vmem>>, vector<1x16xf32>,
      %parallel_loop3A_238 = vector.shape_cast %parallel_loop3A_237 : vector<1x16xf32> to vector<16xf32>
      %parallel_loop3A_239 = arith.mulf %parallel_loop3A_234, %parallel_loop3A_238 : vector<16xf32>
      %parallel_loop3A_240 = arith.index_cast %parallel_loop3A_230 : i32 to index
      %parallel_loop3A_241 = arith.constant 0 : index
      %parallel_loop3A_242 = tpu.vector_load %arg7[%parallel_loop3A_240, %parallel_loop3A_241] {strides = array<i32>} : memref<512x128xf32, #tpu.memory_space<vmem>>, vector<1x16xf32>,
      %parallel_loop3A_243 = vector.shape_cast %parallel_loop3A_242 : vector<1x16xf32> to vector<16xf32>
      %parallel_loop3A_244 = vector.shape_cast %parallel_loop3A_239 : vector<16xf32> to vector<1x16xf32>
      tpu.vector_store %arg7[%parallel_loop3A_240, %parallel_loop3A_241], %parallel_loop3A_244 {strides = array<i32>} : memref<512x128xf32, #tpu.memory_space<vmem>>, vector<1x16xf32>,
      %parallel_loop3A_245 = arith.index_cast %parallel_loop3A_230 : i32 to index
      %parallel_loop3A_246 = arith.constant 16 : index
      %parallel_loop3A_247 = tpu.vector_load %arg7[%parallel_loop3A_245, %parallel_loop3A_246] {strides = array<i32>} : memref<512x128xf32, #tpu.memory_space<vmem>>, vector<1x16xf32>,
      %parallel_loop3A_248 = vector.shape_cast %parallel_loop3A_247 : vector<1x16xf32> to vector<16xf32>
      %parallel_loop3A_249 = arith.index_cast %parallel_loop3A_228 : i32 to index
      %parallel_loop3A_250 = arith.constant 16 : index
      %parallel_loop3A_251 = tpu.vector_load %arg10[%parallel_loop3A_249, %parallel_loop3A_250] {strides = array<i32>} : memref<128x128xf32, #tpu.memory_space<vmem>>, vector<1x16xf32>,
      %parallel_loop3A_252 = vector.shape_cast %parallel_loop3A_251 : vector<1x16xf32> to vector<16xf32>
      %parallel_loop3A_253 = arith.mulf %parallel_loop3A_248, %parallel_loop3A_252 : vector<16xf32>
      %parallel_loop3A_254 = arith.index_cast %parallel_loop3A_230 : i32 to index
      %parallel_loop3A_255 = arith.constant 16 : index
      %parallel_loop3A_256 = tpu.vector_load %arg7[%parallel_loop3A_254, %parallel_loop3A_255] {strides = array<i32>} : memref<512x128xf32, #tpu.memory_space<vmem>>, vector<1x16xf32>,
      %parallel_loop3A_257 = vector.shape_cast %parallel_loop3A_256 : vector<1x16xf32> to vector<16xf32>
      %parallel_loop3A_258 = vector.shape_cast %parallel_loop3A_253 : vector<16xf32> to vector<1x16xf32>
      tpu.vector_store %arg7[%parallel_loop3A_254, %parallel_loop3A_255], %parallel_loop3A_258 {strides = array<i32>} : memref<512x128xf32, #tpu.memory_space<vmem>>, vector<1x16xf32>,
      %parallel_loop3A_259 = arith.index_cast %parallel_loop3A_230 : i32 to index
      %parallel_loop3A_260 = arith.constant 32 : index
      %parallel_loop3A_261 = tpu.vector_load %arg7[%parallel_loop3A_259, %parallel_loop3A_260] {strides = array<i32>} : memref<512x128xf32, #tpu.memory_space<vmem>>, vector<1x16xf32>,
      %parallel_loop3A_262 = vector.shape_cast %parallel_loop3A_261 : vector<1x16xf32> to vector<16xf32>
      %parallel_loop3A_263 = arith.index_cast %parallel_loop3A_228 : i32 to index
      %parallel_loop3A_264 = arith.constant 32 : index
      %parallel_loop3A_265 = tpu.vector_load %arg10[%parallel_loop3A_263, %parallel_loop3A_264] {strides = array<i32>} : memref<128x128xf32, #tpu.memory_space<vmem>>, vector<1x16xf32>,
      %parallel_loop3A_266 = vector.shape_cast %parallel_loop3A_265 : vector<1x16xf32> to vector<16xf32>
      %parallel_loop3A_267 = arith.mulf %parallel_loop3A_262, %parallel_loop3A_266 : vector<16xf32>
      %parallel_loop3A_268 = arith.index_cast %parallel_loop3A_230 : i32 to index
      %parallel_loop3A_269 = arith.constant 32 : index
      %parallel_loop3A_270 = tpu.vector_load %arg7[%parallel_loop3A_268, %parallel_loop3A_269] {strides = array<i32>} : memref<512x128xf32, #tpu.memory_space<vmem>>, vector<1x16xf32>,
      %parallel_loop3A_271 = vector.shape_cast %parallel_loop3A_270 : vector<1x16xf32> to vector<16xf32>
      %parallel_loop3A_272 = vector.shape_cast %parallel_loop3A_267 : vector<16xf32> to vector<1x16xf32>
      tpu.vector_store %arg7[%parallel_loop3A_268, %parallel_loop3A_269], %parallel_loop3A_272 {strides = array<i32>} : memref<512x128xf32, #tpu.memory_space<vmem>>, vector<1x16xf32>,
      %parallel_loop3A_273 = arith.index_cast %parallel_loop3A_230 : i32 to index
      %parallel_loop3A_274 = arith.constant 48 : index
      %parallel_loop3A_275 = tpu.vector_load %arg7[%parallel_loop3A_273, %parallel_loop3A_274] {strides = array<i32>} : memref<512x128xf32, #tpu.memory_space<vmem>>, vector<1x16xf32>,
      %parallel_loop3A_276 = vector.shape_cast %parallel_loop3A_275 : vector<1x16xf32> to vector<16xf32>
      %parallel_loop3A_277 = arith.index_cast %parallel_loop3A_228 : i32 to index
      %parallel_loop3A_278 = arith.constant 48 : index
      %parallel_loop3A_279 = tpu.vector_load %arg10[%parallel_loop3A_277, %parallel_loop3A_278] {strides = array<i32>} : memref<128x128xf32, #tpu.memory_space<vmem>>, vector<1x16xf32>,
      %parallel_loop3A_280 = vector.shape_cast %parallel_loop3A_279 : vector<1x16xf32> to vector<16xf32>
      %parallel_loop3A_281 = arith.mulf %parallel_loop3A_276, %parallel_loop3A_280 : vector<16xf32>
      %parallel_loop3A_282 = arith.index_cast %parallel_loop3A_230 : i32 to index
      %parallel_loop3A_283 = arith.constant 48 : index
      %parallel_loop3A_284 = tpu.vector_load %arg7[%parallel_loop3A_282, %parallel_loop3A_283] {strides = array<i32>} : memref<512x128xf32, #tpu.memory_space<vmem>>, vector<1x16xf32>,
      %parallel_loop3A_285 = vector.shape_cast %parallel_loop3A_284 : vector<1x16xf32> to vector<16xf32>
      %parallel_loop3A_286 = vector.shape_cast %parallel_loop3A_281 : vector<16xf32> to vector<1x16xf32>
      tpu.vector_store %arg7[%parallel_loop3A_282, %parallel_loop3A_283], %parallel_loop3A_286 {strides = array<i32>} : memref<512x128xf32, #tpu.memory_space<vmem>>, vector<1x16xf32>,
      %parallel_loop3A_287 = arith.index_cast %parallel_loop3A_230 : i32 to index
      %parallel_loop3A_288 = arith.constant 64 : index
      %parallel_loop3A_289 = tpu.vector_load %arg7[%parallel_loop3A_287, %parallel_loop3A_288] {strides = array<i32>} : memref<512x128xf32, #tpu.memory_space<vmem>>, vector<1x16xf32>,
      %parallel_loop3A_290 = vector.shape_cast %parallel_loop3A_289 : vector<1x16xf32> to vector<16xf32>
      %parallel_loop3A_291 = arith.index_cast %parallel_loop3A_228 : i32 to index
      %parallel_loop3A_292 = arith.constant 64 : index
      %parallel_loop3A_293 = tpu.vector_load %arg10[%parallel_loop3A_291, %parallel_loop3A_292] {strides = array<i32>} : memref<128x128xf32, #tpu.memory_space<vmem>>, vector<1x16xf32>,
      %parallel_loop3A_294 = vector.shape_cast %parallel_loop3A_293 : vector<1x16xf32> to vector<16xf32>
      %parallel_loop3A_295 = arith.mulf %parallel_loop3A_290, %parallel_loop3A_294 : vector<16xf32>
      %parallel_loop3A_296 = arith.index_cast %parallel_loop3A_230 : i32 to index
      %parallel_loop3A_297 = arith.constant 64 : index
      %parallel_loop3A_298 = tpu.vector_load %arg7[%parallel_loop3A_296, %parallel_loop3A_297] {strides = array<i32>} : memref<512x128xf32, #tpu.memory_space<vmem>>, vector<1x16xf32>,
      %parallel_loop3A_299 = vector.shape_cast %parallel_loop3A_298 : vector<1x16xf32> to vector<16xf32>
      %parallel_loop3A_300 = vector.shape_cast %parallel_loop3A_295 : vector<16xf32> to vector<1x16xf32>
      tpu.vector_store %arg7[%parallel_loop3A_296, %parallel_loop3A_297], %parallel_loop3A_300 {strides = array<i32>} : memref<512x128xf32, #tpu.memory_space<vmem>>, vector<1x16xf32>,
      %parallel_loop3A_301 = arith.index_cast %parallel_loop3A_230 : i32 to index
      %parallel_loop3A_302 = arith.constant 80 : index
      %parallel_loop3A_303 = tpu.vector_load %arg7[%parallel_loop3A_301, %parallel_loop3A_302] {strides = array<i32>} : memref<512x128xf32, #tpu.memory_space<vmem>>, vector<1x16xf32>,
      %parallel_loop3A_304 = vector.shape_cast %parallel_loop3A_303 : vector<1x16xf32> to vector<16xf32>
      %parallel_loop3A_305 = arith.index_cast %parallel_loop3A_228 : i32 to index
      %parallel_loop3A_306 = arith.constant 80 : index
      %parallel_loop3A_307 = tpu.vector_load %arg10[%parallel_loop3A_305, %parallel_loop3A_306] {strides = array<i32>} : memref<128x128xf32, #tpu.memory_space<vmem>>, vector<1x16xf32>,
      %parallel_loop3A_308 = vector.shape_cast %parallel_loop3A_307 : vector<1x16xf32> to vector<16xf32>
      %parallel_loop3A_309 = arith.mulf %parallel_loop3A_304, %parallel_loop3A_308 : vector<16xf32>
      %parallel_loop3A_310 = arith.index_cast %parallel_loop3A_230 : i32 to index
      %parallel_loop3A_311 = arith.constant 80 : index
      %parallel_loop3A_312 = tpu.vector_load %arg7[%parallel_loop3A_310, %parallel_loop3A_311] {strides = array<i32>} : memref<512x128xf32, #tpu.memory_space<vmem>>, vector<1x16xf32>,
      %parallel_loop3A_313 = vector.shape_cast %parallel_loop3A_312 : vector<1x16xf32> to vector<16xf32>
      %parallel_loop3A_314 = vector.shape_cast %parallel_loop3A_309 : vector<16xf32> to vector<1x16xf32>
      tpu.vector_store %arg7[%parallel_loop3A_310, %parallel_loop3A_311], %parallel_loop3A_314 {strides = array<i32>} : memref<512x128xf32, #tpu.memory_space<vmem>>, vector<1x16xf32>,
      %parallel_loop3A_315 = arith.index_cast %parallel_loop3A_230 : i32 to index
      %parallel_loop3A_316 = arith.constant 96 : index
      %parallel_loop3A_317 = tpu.vector_load %arg7[%parallel_loop3A_315, %parallel_loop3A_316] {strides = array<i32>} : memref<512x128xf32, #tpu.memory_space<vmem>>, vector<1x16xf32>,
      %parallel_loop3A_318 = vector.shape_cast %parallel_loop3A_317 : vector<1x16xf32> to vector<16xf32>
      %parallel_loop3A_319 = arith.index_cast %parallel_loop3A_228 : i32 to index
      %parallel_loop3A_320 = arith.constant 96 : index
      %parallel_loop3A_321 = tpu.vector_load %arg10[%parallel_loop3A_319, %parallel_loop3A_320] {strides = array<i32>} : memref<128x128xf32, #tpu.memory_space<vmem>>, vector<1x16xf32>,
      %parallel_loop3A_322 = vector.shape_cast %parallel_loop3A_321 : vector<1x16xf32> to vector<16xf32>
      %parallel_loop3A_323 = arith.mulf %parallel_loop3A_318, %parallel_loop3A_322 : vector<16xf32>
      %parallel_loop3A_324 = arith.index_cast %parallel_loop3A_230 : i32 to index
      %parallel_loop3A_325 = arith.constant 96 : index
      %parallel_loop3A_326 = tpu.vector_load %arg7[%parallel_loop3A_324, %parallel_loop3A_325] {strides = array<i32>} : memref<512x128xf32, #tpu.memory_space<vmem>>, vector<1x16xf32>,
      %parallel_loop3A_327 = vector.shape_cast %parallel_loop3A_326 : vector<1x16xf32> to vector<16xf32>
      %parallel_loop3A_328 = vector.shape_cast %parallel_loop3A_323 : vector<16xf32> to vector<1x16xf32>
      tpu.vector_store %arg7[%parallel_loop3A_324, %parallel_loop3A_325], %parallel_loop3A_328 {strides = array<i32>} : memref<512x128xf32, #tpu.memory_space<vmem>>, vector<1x16xf32>,
      %parallel_loop3A_329 = arith.index_cast %parallel_loop3A_230 : i32 to index
      %parallel_loop3A_330 = arith.constant 112 : index
      %parallel_loop3A_331 = tpu.vector_load %arg7[%parallel_loop3A_329, %parallel_loop3A_330] {strides = array<i32>} : memref<512x128xf32, #tpu.memory_space<vmem>>, vector<1x16xf32>,
      %parallel_loop3A_332 = vector.shape_cast %parallel_loop3A_331 : vector<1x16xf32> to vector<16xf32>
      %parallel_loop3A_333 = arith.index_cast %parallel_loop3A_228 : i32 to index
      %parallel_loop3A_334 = arith.constant 112 : index
      %parallel_loop3A_335 = tpu.vector_load %arg10[%parallel_loop3A_333, %parallel_loop3A_334] {strides = array<i32>} : memref<128x128xf32, #tpu.memory_space<vmem>>, vector<1x16xf32>,
      %parallel_loop3A_336 = vector.shape_cast %parallel_loop3A_335 : vector<1x16xf32> to vector<16xf32>
      %parallel_loop3A_337 = arith.mulf %parallel_loop3A_332, %parallel_loop3A_336 : vector<16xf32>
      %parallel_loop3A_338 = arith.index_cast %parallel_loop3A_230 : i32 to index
      %parallel_loop3A_339 = arith.constant 112 : index
      %parallel_loop3A_340 = tpu.vector_load %arg7[%parallel_loop3A_338, %parallel_loop3A_339] {strides = array<i32>} : memref<512x128xf32, #tpu.memory_space<vmem>>, vector<1x16xf32>,
      %parallel_loop3A_341 = vector.shape_cast %parallel_loop3A_340 : vector<1x16xf32> to vector<16xf32>
      %parallel_loop3A_342 = vector.shape_cast %parallel_loop3A_337 : vector<16xf32> to vector<1x16xf32>
      tpu.vector_store %arg7[%parallel_loop3A_338, %parallel_loop3A_339], %parallel_loop3A_342 {strides = array<i32>} : memref<512x128xf32, #tpu.memory_space<vmem>>, vector<1x16xf32>,
    } {sc.loop_unroll_factor = 2 : i64, sc.parallel_access}
    %add3A_146 = arith.constant 256 : i32
    %add3A_147 = arith.addi %mul3A_2, %add3A_146 : i32
    %dma_start3A_148 = arith.constant 256 : i32
    %dma_start3A_149 = arith.constant 0 : i32
    %dma_start3A_150 = tpu.memref_slice %arg7[%dma_start3A_148, %dma_start3A_149] : memref<512x128xf32, #tpu.memory_space<vmem>> -> memref<128x128xf32, #tpu.memory_space<vmem>>
    %dma_start3A_151 = arith.constant 0 : i32
    %dma_start3A_152 = tpu.memref_slice %arg5[%add3A_147, %dma_start3A_151] : memref<16384x128xf32, #tpu.memory_space<hbm>> -> memref<128x128xf32, #tpu.memory_space<hbm>>
    %dma_start3A_153 = arith.constant 0 : i32
    %dma_start3A_154 = tpu.memref_slice %arg5[%add3A_147, %dma_start3A_153] : memref<16384x128xf32, #tpu.memory_space<hbm>> -> memref<128x128xf32, #tpu.memory_space<hbm>>
    %dma_start3A_155 = arith.constant 256 : i32
    %dma_start3A_156 = arith.constant 0 : i32
    %dma_start3A_157 = tpu.memref_slice %arg7[%dma_start3A_155, %dma_start3A_156] : memref<512x128xf32, #tpu.memory_space<vmem>> -> memref<128x128xf32, #tpu.memory_space<vmem>>
    tpu.enqueue_dma source(%dma_start3A_157 : memref<128x128xf32, #tpu.memory_space<vmem>>) target(%dma_start3A_154 : memref<128x128xf32, #tpu.memory_space<hbm>>) target_semaphore(%arg18 : memref<!tpu.dma_semaphore, #tpu.memory_space<semaphore_mem>>)
    %dma_wait3A_158 = arith.constant 384 : i32
    %dma_wait3A_159 = tpu.memref_slice %arg6[%dma_wait3A_158] : memref<512xi32, #tpu.memory_space<vmem>> -> memref<128xi32, #tpu.memory_space<vmem>>
    %dma_wait3A_160 = arith.constant 0 : i32
    %dma_wait3A_161 = arith.constant 0 : i32
    %dma_wait3A_162 = tpu.memref_slice %arg4[%dma_wait3A_160, %dma_wait3A_161] : memref<1000x128xf32, #tpu.memory_space<hbm>> -> memref<1000x128xf32, #tpu.memory_space<hbm>>
    tpu.wait_indirect_dma semaphore(%arg11 : memref<!tpu.dma_semaphore, #tpu.memory_space<semaphore_mem>>) src(%dma_wait3A_162 : memref<1000x128xf32, #tpu.memory_space<hbm>>) dst(%arg8 : memref<128x128xf32, #tpu.memory_space<vmem>>)
    %dma_wait3A_163 = arith.constant 384 : i32
    %dma_wait3A_164 = arith.constant 0 : i32
    %dma_wait3A_165 = tpu.memref_slice %arg7[%dma_wait3A_163, %dma_wait3A_164] : memref<512x128xf32, #tpu.memory_space<vmem>> -> memref<128x128xf32, #tpu.memory_space<vmem>>
    %dma_wait3A_166 = arith.constant 0 : i32
    %dma_wait3A_167 = tpu.memref_slice %arg2[%add3A_54, %dma_wait3A_166] : memref<16384x128xf32, #tpu.memory_space<hbm>> -> memref<128x128xf32, #tpu.memory_space<hbm>>
    %dma_wait3A_168 = arith.constant 384 : i32
    %dma_wait3A_169 = arith.constant 0 : i32
    %dma_wait3A_170 = tpu.memref_slice %arg7[%dma_wait3A_168, %dma_wait3A_169] : memref<512x128xf32, #tpu.memory_space<vmem>> -> memref<128x128xf32, #tpu.memory_space<vmem>>
    %dma_wait3A_171 = arith.constant 0 : i32
    %dma_wait3A_172 = tpu.memref_slice %arg2[%add3A_54, %dma_wait3A_171] : memref<16384x128xf32, #tpu.memory_space<hbm>> -> memref<128x128xf32, #tpu.memory_space<hbm>>
    tpu.wait_dma2 semaphore(%arg17 : memref<!tpu.dma_semaphore, #tpu.memory_space<semaphore_mem>>) src(%dma_wait3A_172 : memref<128x128xf32, #tpu.memory_space<hbm>>) dst(%dma_wait3A_170 : memref<128x128xf32, #tpu.memory_space<vmem>>)
    %parallel_loop3A_173 = arith.constant 0 : i32
    %parallel_loop3A_174 = arith.constant 128 : i32
    %parallel_loop3A_175 = arith.constant 1 : i32
    scf.for %parallel_loop3A_228 = %parallel_loop3A_173 to %parallel_loop3A_174 step %parallel_loop3A_175  : i32 {
      %parallel_loop3A_229 = arith.constant 384 : i32
      %parallel_loop3A_230 = arith.addi %parallel_loop3A_229, %parallel_loop3A_228 : i32
      %parallel_loop3A_231 = arith.index_cast %parallel_loop3A_230 : i32 to index
      %parallel_loop3A_232 = arith.constant 0 : index
      %parallel_loop3A_233 = tpu.vector_load %arg7[%parallel_loop3A_231, %parallel_loop3A_232] {strides = array<i32>} : memref<512x128xf32, #tpu.memory_space<vmem>>, vector<1x16xf32>,
      %parallel_loop3A_234 = vector.shape_cast %parallel_loop3A_233 : vector<1x16xf32> to vector<16xf32>
      %parallel_loop3A_235 = arith.index_cast %parallel_loop3A_228 : i32 to index
      %parallel_loop3A_236 = arith.constant 0 : index
      %parallel_loop3A_237 = tpu.vector_load %arg8[%parallel_loop3A_235, %parallel_loop3A_236] {strides = array<i32>} : memref<128x128xf32, #tpu.memory_space<vmem>>, vector<1x16xf32>,
      %parallel_loop3A_238 = vector.shape_cast %parallel_loop3A_237 : vector<1x16xf32> to vector<16xf32>
      %parallel_loop3A_239 = arith.mulf %parallel_loop3A_234, %parallel_loop3A_238 : vector<16xf32>
      %parallel_loop3A_240 = arith.index_cast %parallel_loop3A_230 : i32 to index
      %parallel_loop3A_241 = arith.constant 0 : index
      %parallel_loop3A_242 = tpu.vector_load %arg7[%parallel_loop3A_240, %parallel_loop3A_241] {strides = array<i32>} : memref<512x128xf32, #tpu.memory_space<vmem>>, vector<1x16xf32>,
      %parallel_loop3A_243 = vector.shape_cast %parallel_loop3A_242 : vector<1x16xf32> to vector<16xf32>
      %parallel_loop3A_244 = vector.shape_cast %parallel_loop3A_239 : vector<16xf32> to vector<1x16xf32>
      tpu.vector_store %arg7[%parallel_loop3A_240, %parallel_loop3A_241], %parallel_loop3A_244 {strides = array<i32>} : memref<512x128xf32, #tpu.memory_space<vmem>>, vector<1x16xf32>,
      %parallel_loop3A_245 = arith.index_cast %parallel_loop3A_230 : i32 to index
      %parallel_loop3A_246 = arith.constant 16 : index
      %parallel_loop3A_247 = tpu.vector_load %arg7[%parallel_loop3A_245, %parallel_loop3A_246] {strides = array<i32>} : memref<512x128xf32, #tpu.memory_space<vmem>>, vector<1x16xf32>,
      %parallel_loop3A_248 = vector.shape_cast %parallel_loop3A_247 : vector<1x16xf32> to vector<16xf32>
      %parallel_loop3A_249 = arith.index_cast %parallel_loop3A_228 : i32 to index
      %parallel_loop3A_250 = arith.constant 16 : index
      %parallel_loop3A_251 = tpu.vector_load %arg8[%parallel_loop3A_249, %parallel_loop3A_250] {strides = array<i32>} : memref<128x128xf32, #tpu.memory_space<vmem>>, vector<1x16xf32>,
      %parallel_loop3A_252 = vector.shape_cast %parallel_loop3A_251 : vector<1x16xf32> to vector<16xf32>
      %parallel_loop3A_253 = arith.mulf %parallel_loop3A_248, %parallel_loop3A_252 : vector<16xf32>
      %parallel_loop3A_254 = arith.index_cast %parallel_loop3A_230 : i32 to index
      %parallel_loop3A_255 = arith.constant 16 : index
      %parallel_loop3A_256 = tpu.vector_load %arg7[%parallel_loop3A_254, %parallel_loop3A_255] {strides = array<i32>} : memref<512x128xf32, #tpu.memory_space<vmem>>, vector<1x16xf32>,
      %parallel_loop3A_257 = vector.shape_cast %parallel_loop3A_256 : vector<1x16xf32> to vector<16xf32>
      %parallel_loop3A_258 = vector.shape_cast %parallel_loop3A_253 : vector<16xf32> to vector<1x16xf32>
      tpu.vector_store %arg7[%parallel_loop3A_254, %parallel_loop3A_255], %parallel_loop3A_258 {strides = array<i32>} : memref<512x128xf32, #tpu.memory_space<vmem>>, vector<1x16xf32>,
      %parallel_loop3A_259 = arith.index_cast %parallel_loop3A_230 : i32 to index
      %parallel_loop3A_260 = arith.constant 32 : index
      %parallel_loop3A_261 = tpu.vector_load %arg7[%parallel_loop3A_259, %parallel_loop3A_260] {strides = array<i32>} : memref<512x128xf32, #tpu.memory_space<vmem>>, vector<1x16xf32>,
      %parallel_loop3A_262 = vector.shape_cast %parallel_loop3A_261 : vector<1x16xf32> to vector<16xf32>
      %parallel_loop3A_263 = arith.index_cast %parallel_loop3A_228 : i32 to index
      %parallel_loop3A_264 = arith.constant 32 : index
      %parallel_loop3A_265 = tpu.vector_load %arg8[%parallel_loop3A_263, %parallel_loop3A_264] {strides = array<i32>} : memref<128x128xf32, #tpu.memory_space<vmem>>, vector<1x16xf32>,
      %parallel_loop3A_266 = vector.shape_cast %parallel_loop3A_265 : vector<1x16xf32> to vector<16xf32>
      %parallel_loop3A_267 = arith.mulf %parallel_loop3A_262, %parallel_loop3A_266 : vector<16xf32>
      %parallel_loop3A_268 = arith.index_cast %parallel_loop3A_230 : i32 to index
      %parallel_loop3A_269 = arith.constant 32 : index
      %parallel_loop3A_270 = tpu.vector_load %arg7[%parallel_loop3A_268, %parallel_loop3A_269] {strides = array<i32>} : memref<512x128xf32, #tpu.memory_space<vmem>>, vector<1x16xf32>,
      %parallel_loop3A_271 = vector.shape_cast %parallel_loop3A_270 : vector<1x16xf32> to vector<16xf32>
      %parallel_loop3A_272 = vector.shape_cast %parallel_loop3A_267 : vector<16xf32> to vector<1x16xf32>
      tpu.vector_store %arg7[%parallel_loop3A_268, %parallel_loop3A_269], %parallel_loop3A_272 {strides = array<i32>} : memref<512x128xf32, #tpu.memory_space<vmem>>, vector<1x16xf32>,
      %parallel_loop3A_273 = arith.index_cast %parallel_loop3A_230 : i32 to index
      %parallel_loop3A_274 = arith.constant 48 : index
      %parallel_loop3A_275 = tpu.vector_load %arg7[%parallel_loop3A_273, %parallel_loop3A_274] {strides = array<i32>} : memref<512x128xf32, #tpu.memory_space<vmem>>, vector<1x16xf32>,
      %parallel_loop3A_276 = vector.shape_cast %parallel_loop3A_275 : vector<1x16xf32> to vector<16xf32>
      %parallel_loop3A_277 = arith.index_cast %parallel_loop3A_228 : i32 to index
      %parallel_loop3A_278 = arith.constant 48 : index
      %parallel_loop3A_279 = tpu.vector_load %arg8[%parallel_loop3A_277, %parallel_loop3A_278] {strides = array<i32>} : memref<128x128xf32, #tpu.memory_space<vmem>>, vector<1x16xf32>,
      %parallel_loop3A_280 = vector.shape_cast %parallel_loop3A_279 : vector<1x16xf32> to vector<16xf32>
      %parallel_loop3A_281 = arith.mulf %parallel_loop3A_276, %parallel_loop3A_280 : vector<16xf32>
      %parallel_loop3A_282 = arith.index_cast %parallel_loop3A_230 : i32 to index
      %parallel_loop3A_283 = arith.constant 48 : index
      %parallel_loop3A_284 = tpu.vector_load %arg7[%parallel_loop3A_282, %parallel_loop3A_283] {strides = array<i32>} : memref<512x128xf32, #tpu.memory_space<vmem>>, vector<1x16xf32>,
      %parallel_loop3A_285 = vector.shape_cast %parallel_loop3A_284 : vector<1x16xf32> to vector<16xf32>
      %parallel_loop3A_286 = vector.shape_cast %parallel_loop3A_281 : vector<16xf32> to vector<1x16xf32>
      tpu.vector_store %arg7[%parallel_loop3A_282, %parallel_loop3A_283], %parallel_loop3A_286 {strides = array<i32>} : memref<512x128xf32, #tpu.memory_space<vmem>>, vector<1x16xf32>,
      %parallel_loop3A_287 = arith.index_cast %parallel_loop3A_230 : i32 to index
      %parallel_loop3A_288 = arith.constant 64 : index
      %parallel_loop3A_289 = tpu.vector_load %arg7[%parallel_loop3A_287, %parallel_loop3A_288] {strides = array<i32>} : memref<512x128xf32, #tpu.memory_space<vmem>>, vector<1x16xf32>,
      %parallel_loop3A_290 = vector.shape_cast %parallel_loop3A_289 : vector<1x16xf32> to vector<16xf32>
      %parallel_loop3A_291 = arith.index_cast %parallel_loop3A_228 : i32 to index
      %parallel_loop3A_292 = arith.constant 64 : index
      %parallel_loop3A_293 = tpu.vector_load %arg8[%parallel_loop3A_291, %parallel_loop3A_292] {strides = array<i32>} : memref<128x128xf32, #tpu.memory_space<vmem>>, vector<1x16xf32>,
      %parallel_loop3A_294 = vector.shape_cast %parallel_loop3A_293 : vector<1x16xf32> to vector<16xf32>
      %parallel_loop3A_295 = arith.mulf %parallel_loop3A_290, %parallel_loop3A_294 : vector<16xf32>
      %parallel_loop3A_296 = arith.index_cast %parallel_loop3A_230 : i32 to index
      %parallel_loop3A_297 = arith.constant 64 : index
      %parallel_loop3A_298 = tpu.vector_load %arg7[%parallel_loop3A_296, %parallel_loop3A_297] {strides = array<i32>} : memref<512x128xf32, #tpu.memory_space<vmem>>, vector<1x16xf32>,
      %parallel_loop3A_299 = vector.shape_cast %parallel_loop3A_298 : vector<1x16xf32> to vector<16xf32>
      %parallel_loop3A_300 = vector.shape_cast %parallel_loop3A_295 : vector<16xf32> to vector<1x16xf32>
      tpu.vector_store %arg7[%parallel_loop3A_296, %parallel_loop3A_297], %parallel_loop3A_300 {strides = array<i32>} : memref<512x128xf32, #tpu.memory_space<vmem>>, vector<1x16xf32>,
      %parallel_loop3A_301 = arith.index_cast %parallel_loop3A_230 : i32 to index
      %parallel_loop3A_302 = arith.constant 80 : index
      %parallel_loop3A_303 = tpu.vector_load %arg7[%parallel_loop3A_301, %parallel_loop3A_302] {strides = array<i32>} : memref<512x128xf32, #tpu.memory_space<vmem>>, vector<1x16xf32>,
      %parallel_loop3A_304 = vector.shape_cast %parallel_loop3A_303 : vector<1x16xf32> to vector<16xf32>
      %parallel_loop3A_305 = arith.index_cast %parallel_loop3A_228 : i32 to index
      %parallel_loop3A_306 = arith.constant 80 : index
      %parallel_loop3A_307 = tpu.vector_load %arg8[%parallel_loop3A_305, %parallel_loop3A_306] {strides = array<i32>} : memref<128x128xf32, #tpu.memory_space<vmem>>, vector<1x16xf32>,
      %parallel_loop3A_308 = vector.shape_cast %parallel_loop3A_307 : vector<1x16xf32> to vector<16xf32>
      %parallel_loop3A_309 = arith.mulf %parallel_loop3A_304, %parallel_loop3A_308 : vector<16xf32>
      %parallel_loop3A_310 = arith.index_cast %parallel_loop3A_230 : i32 to index
      %parallel_loop3A_311 = arith.constant 80 : index
      %parallel_loop3A_312 = tpu.vector_load %arg7[%parallel_loop3A_310, %parallel_loop3A_311] {strides = array<i32>} : memref<512x128xf32, #tpu.memory_space<vmem>>, vector<1x16xf32>,
      %parallel_loop3A_313 = vector.shape_cast %parallel_loop3A_312 : vector<1x16xf32> to vector<16xf32>
      %parallel_loop3A_314 = vector.shape_cast %parallel_loop3A_309 : vector<16xf32> to vector<1x16xf32>
      tpu.vector_store %arg7[%parallel_loop3A_310, %parallel_loop3A_311], %parallel_loop3A_314 {strides = array<i32>} : memref<512x128xf32, #tpu.memory_space<vmem>>, vector<1x16xf32>,
      %parallel_loop3A_315 = arith.index_cast %parallel_loop3A_230 : i32 to index
      %parallel_loop3A_316 = arith.constant 96 : index
      %parallel_loop3A_317 = tpu.vector_load %arg7[%parallel_loop3A_315, %parallel_loop3A_316] {strides = array<i32>} : memref<512x128xf32, #tpu.memory_space<vmem>>, vector<1x16xf32>,
      %parallel_loop3A_318 = vector.shape_cast %parallel_loop3A_317 : vector<1x16xf32> to vector<16xf32>
      %parallel_loop3A_319 = arith.index_cast %parallel_loop3A_228 : i32 to index
      %parallel_loop3A_320 = arith.constant 96 : index
      %parallel_loop3A_321 = tpu.vector_load %arg8[%parallel_loop3A_319, %parallel_loop3A_320] {strides = array<i32>} : memref<128x128xf32, #tpu.memory_space<vmem>>, vector<1x16xf32>,
      %parallel_loop3A_322 = vector.shape_cast %parallel_loop3A_321 : vector<1x16xf32> to vector<16xf32>
      %parallel_loop3A_323 = arith.mulf %parallel_loop3A_318, %parallel_loop3A_322 : vector<16xf32>
      %parallel_loop3A_324 = arith.index_cast %parallel_loop3A_230 : i32 to index
      %parallel_loop3A_325 = arith.constant 96 : index
      %parallel_loop3A_326 = tpu.vector_load %arg7[%parallel_loop3A_324, %parallel_loop3A_325] {strides = array<i32>} : memref<512x128xf32, #tpu.memory_space<vmem>>, vector<1x16xf32>,
      %parallel_loop3A_327 = vector.shape_cast %parallel_loop3A_326 : vector<1x16xf32> to vector<16xf32>
      %parallel_loop3A_328 = vector.shape_cast %parallel_loop3A_323 : vector<16xf32> to vector<1x16xf32>
      tpu.vector_store %arg7[%parallel_loop3A_324, %parallel_loop3A_325], %parallel_loop3A_328 {strides = array<i32>} : memref<512x128xf32, #tpu.memory_space<vmem>>, vector<1x16xf32>,
      %parallel_loop3A_329 = arith.index_cast %parallel_loop3A_230 : i32 to index
      %parallel_loop3A_330 = arith.constant 112 : index
      %parallel_loop3A_331 = tpu.vector_load %arg7[%parallel_loop3A_329, %parallel_loop3A_330] {strides = array<i32>} : memref<512x128xf32, #tpu.memory_space<vmem>>, vector<1x16xf32>,
      %parallel_loop3A_332 = vector.shape_cast %parallel_loop3A_331 : vector<1x16xf32> to vector<16xf32>
      %parallel_loop3A_333 = arith.index_cast %parallel_loop3A_228 : i32 to index
      %parallel_loop3A_334 = arith.constant 112 : index
      %parallel_loop3A_335 = tpu.vector_load %arg8[%parallel_loop3A_333, %parallel_loop3A_334] {strides = array<i32>} : memref<128x128xf32, #tpu.memory_space<vmem>>, vector<1x16xf32>,
      %parallel_loop3A_336 = vector.shape_cast %parallel_loop3A_335 : vector<1x16xf32> to vector<16xf32>
      %parallel_loop3A_337 = arith.mulf %parallel_loop3A_332, %parallel_loop3A_336 : vector<16xf32>
      %parallel_loop3A_338 = arith.index_cast %parallel_loop3A_230 : i32 to index
      %parallel_loop3A_339 = arith.constant 112 : index
      %parallel_loop3A_340 = tpu.vector_load %arg7[%parallel_loop3A_338, %parallel_loop3A_339] {strides = array<i32>} : memref<512x128xf32, #tpu.memory_space<vmem>>, vector<1x16xf32>,
      %parallel_loop3A_341 = vector.shape_cast %parallel_loop3A_340 : vector<1x16xf32> to vector<16xf32>
      %parallel_loop3A_342 = vector.shape_cast %parallel_loop3A_337 : vector<16xf32> to vector<1x16xf32>
      tpu.vector_store %arg7[%parallel_loop3A_338, %parallel_loop3A_339], %parallel_loop3A_342 {strides = array<i32>} : memref<512x128xf32, #tpu.memory_space<vmem>>, vector<1x16xf32>,
    } {sc.loop_unroll_factor = 2 : i64, sc.parallel_access}
    %add3A_176 = arith.constant 384 : i32
    %add3A_177 = arith.addi %mul3A_2, %add3A_176 : i32
    %dma_start3A_178 = arith.constant 384 : i32
    %dma_start3A_179 = arith.constant 0 : i32
    %dma_start3A_180 = tpu.memref_slice %arg7[%dma_start3A_178, %dma_start3A_179] : memref<512x128xf32, #tpu.memory_space<vmem>> -> memref<128x128xf32, #tpu.memory_space<vmem>>
    %dma_start3A_181 = arith.constant 0 : i32
    %dma_start3A_182 = tpu.memref_slice %arg5[%add3A_177, %dma_start3A_181] : memref<16384x128xf32, #tpu.memory_space<hbm>> -> memref<128x128xf32, #tpu.memory_space<hbm>>
    %dma_start3A_183 = arith.constant 0 : i32
    %dma_start3A_184 = tpu.memref_slice %arg5[%add3A_177, %dma_start3A_183] : memref<16384x128xf32, #tpu.memory_space<hbm>> -> memref<128x128xf32, #tpu.memory_space<hbm>>
    %dma_start3A_185 = arith.constant 384 : i32
    %dma_start3A_186 = arith.constant 0 : i32
    %dma_start3A_187 = tpu.memref_slice %arg7[%dma_start3A_185, %dma_start3A_186] : memref<512x128xf32, #tpu.memory_space<vmem>> -> memref<128x128xf32, #tpu.memory_space<vmem>>
    tpu.enqueue_dma source(%dma_start3A_187 : memref<128x128xf32, #tpu.memory_space<vmem>>) target(%dma_start3A_184 : memref<128x128xf32, #tpu.memory_space<hbm>>) target_semaphore(%arg19 : memref<!tpu.dma_semaphore, #tpu.memory_space<semaphore_mem>>)
    %dma_wait3A_188 = arith.constant 0 : i32
    %dma_wait3A_189 = arith.constant 0 : i32
    %dma_wait3A_190 = tpu.memref_slice %arg7[%dma_wait3A_188, %dma_wait3A_189] : memref<512x128xf32, #tpu.memory_space<vmem>> -> memref<128x128xf32, #tpu.memory_space<vmem>>
    %dma_wait3A_191 = arith.constant 0 : i32
    %dma_wait3A_192 = tpu.memref_slice %arg5[%add3A_82, %dma_wait3A_191] : memref<16384x128xf32, #tpu.memory_space<hbm>> -> memref<128x128xf32, #tpu.memory_space<hbm>>
    %dma_wait3A_193 = arith.constant 0 : i32
    %dma_wait3A_194 = tpu.memref_slice %arg5[%add3A_82, %dma_wait3A_193] : memref<16384x128xf32, #tpu.memory_space<hbm>> -> memref<128x128xf32, #tpu.memory_space<hbm>>
    %dma_wait3A_195 = arith.constant 0 : i32
    %dma_wait3A_196 = arith.constant 0 : i32
    %dma_wait3A_197 = tpu.memref_slice %arg7[%dma_wait3A_195, %dma_wait3A_196] : memref<512x128xf32, #tpu.memory_space<vmem>> -> memref<128x128xf32, #tpu.memory_space<vmem>>
    tpu.wait_dma2 semaphore(%arg18 : memref<!tpu.dma_semaphore, #tpu.memory_space<semaphore_mem>>) src(%dma_wait3A_197 : memref<128x128xf32, #tpu.memory_space<vmem>>) dst(%dma_wait3A_194 : memref<128x128xf32, #tpu.memory_space<hbm>>)
    %dma_wait3A_198 = arith.constant 128 : i32
    %dma_wait3A_199 = arith.constant 0 : i32
    %dma_wait3A_200 = tpu.memref_slice %arg7[%dma_wait3A_198, %dma_wait3A_199] : memref<512x128xf32, #tpu.memory_space<vmem>> -> memref<128x128xf32, #tpu.memory_space<vmem>>
    %dma_wait3A_201 = arith.constant 0 : i32
    %dma_wait3A_202 = tpu.memref_slice %arg5[%add3A_117, %dma_wait3A_201] : memref<16384x128xf32, #tpu.memory_space<hbm>> -> memref<128x128xf32, #tpu.memory_space<hbm>>
    %dma_wait3A_203 = arith.constant 0 : i32
    %dma_wait3A_204 = tpu.memref_slice %arg5[%add3A_117, %dma_wait3A_203] : memref<16384x128xf32, #tpu.memory_space<hbm>> -> memref<128x128xf32, #tpu.memory_space<hbm>>
    %dma_wait3A_205 = arith.constant 128 : i32
    %dma_wait3A_206 = arith.constant 0 : i32
    %dma_wait3A_207 = tpu.memref_slice %arg7[%dma_wait3A_205, %dma_wait3A_206] : memref<512x128xf32, #tpu.memory_space<vmem>> -> memref<128x128xf32, #tpu.memory_space<vmem>>
    tpu.wait_dma2 semaphore(%arg19 : memref<!tpu.dma_semaphore, #tpu.memory_space<semaphore_mem>>) src(%dma_wait3A_207 : memref<128x128xf32, #tpu.memory_space<vmem>>) dst(%dma_wait3A_204 : memref<128x128xf32, #tpu.memory_space<hbm>>)
    %dma_wait3A_208 = arith.constant 256 : i32
    %dma_wait3A_209 = arith.constant 0 : i32
    %dma_wait3A_210 = tpu.memref_slice %arg7[%dma_wait3A_208, %dma_wait3A_209] : memref<512x128xf32, #tpu.memory_space<vmem>> -> memref<128x128xf32, #tpu.memory_space<vmem>>
    %dma_wait3A_211 = arith.constant 0 : i32
    %dma_wait3A_212 = tpu.memref_slice %arg5[%add3A_147, %dma_wait3A_211] : memref<16384x128xf32, #tpu.memory_space<hbm>> -> memref<128x128xf32, #tpu.memory_space<hbm>>
    %dma_wait3A_213 = arith.constant 0 : i32
    %dma_wait3A_214 = tpu.memref_slice %arg5[%add3A_147, %dma_wait3A_213] : memref<16384x128xf32, #tpu.memory_space<hbm>> -> memref<128x128xf32, #tpu.memory_space<hbm>>
    %dma_wait3A_215 = arith.constant 256 : i32
    %dma_wait3A_216 = arith.constant 0 : i32
    %dma_wait3A_217 = tpu.memref_slice %arg7[%dma_wait3A_215, %dma_wait3A_216] : memref<512x128xf32, #tpu.memory_space<vmem>> -> memref<128x128xf32, #tpu.memory_space<vmem>>
    tpu.wait_dma2 semaphore(%arg18 : memref<!tpu.dma_semaphore, #tpu.memory_space<semaphore_mem>>) src(%dma_wait3A_217 : memref<128x128xf32, #tpu.memory_space<vmem>>) dst(%dma_wait3A_214 : memref<128x128xf32, #tpu.memory_space<hbm>>)
    %dma_wait3A_218 = arith.constant 384 : i32
    %dma_wait3A_219 = arith.constant 0 : i32
    %dma_wait3A_220 = tpu.memref_slice %arg7[%dma_wait3A_218, %dma_wait3A_219] : memref<512x128xf32, #tpu.memory_space<vmem>> -> memref<128x128xf32, #tpu.memory_space<vmem>>
    %dma_wait3A_221 = arith.constant 0 : i32
    %dma_wait3A_222 = tpu.memref_slice %arg5[%add3A_177, %dma_wait3A_221] : memref<16384x128xf32, #tpu.memory_space<hbm>> -> memref<128x128xf32, #tpu.memory_space<hbm>>
    %dma_wait3A_223 = arith.constant 0 : i32
    %dma_wait3A_224 = tpu.memref_slice %arg5[%add3A_177, %dma_wait3A_223] : memref<16384x128xf32, #tpu.memory_space<hbm>> -> memref<128x128xf32, #tpu.memory_space<hbm>>
    %dma_wait3A_225 = arith.constant 384 : i32
    %dma_wait3A_226 = arith.constant 0 : i32
    %dma_wait3A_227 = tpu.memref_slice %arg7[%dma_wait3A_225, %dma_wait3A_226] : memref<512x128xf32, #tpu.memory_space<vmem>> -> memref<128x128xf32, #tpu.memory_space<vmem>>
    tpu.wait_dma2 semaphore(%arg19 : memref<!tpu.dma_semaphore, #tpu.memory_space<semaphore_mem>>) src(%dma_wait3A_227 : memref<128x128xf32, #tpu.memory_space<vmem>>) dst(%dma_wait3A_224 : memref<128x128xf32, #tpu.memory_space<hbm>>)
    return
  }
}

</mosaic_0001>

<sc_bundles>
// kernel: kernel.3.cloned.1.call-start
scs
__scs_entry_jumppad:
0x0: {  	(pc) =	sbr.rel $0x88, $3  }
0x1: {  	(tag) =	ssettag $0x0;
	lr =	simm.s32 $0x1  }
0x2: {  	[smem:$0x3F9E] =	sst lr;
	_ =	strace $0xD0000000  }
0x3: {  	_ = 	snop  }
0x4: {  	_ = 	snop  }
0x5: {  	_ = 	snop  }
0x6: {  	_ = 	snop  }
0x7: {  	_ = 	snop  }
__scs_overlays_trampoline_lowered:
0x8: {  	[smem:$0x3FAD] =	sst s0  }
0x9: {  	[smem:$0x3FAE] =	sst s1  }
0xa: {  	[smem:$0x3FAF] =	sst s2  }
0xb: {  	[smem:$0x3FB0] =	sst s3  }
0xc: {  	[smem:$0x3FB1] =	sst s4  }
0xd: {  	[smem:$0x3FB2] =	sst s5  }
0xe: {  	[smem:$0x3FB3] =	sst s6  }
0xf: {  	[smem:$0x3FB4] =	sst s7  }
0x10: {  	[smem:$0x3FB5] =	sst s8  }
0x11: {  	[smem:$0x3FB6] =	sst s9;
	s0 =	simm.s32 @!p0 $0x0  }
0x12: {  	s1 =	sld [smem:$0x3F9C];
	s0 =	simm.s32 @p0 $0x1  }
0x13: {  	[smem:$0x3FB7] =	sst s0;
	s0 =	simm.s32 @!p1 $0x0  }
0x14: {  	s2 =	sld [smem:$0x3F9B];
	s0 =	simm.s32 @p1 $0x1  }
0x15: {  	[smem:$0x3FB8] =	sst s0;
	s0 =	simm.s32 @!p2 $0x0  }
0x16: {  	s3 =	sld [smem:$0x3FDB];
	s0 =	simm.s32 @p2 $0x1  }
0x17: {  	s4 =	simm.s32 $0x1BF5;
	[smem:$0x3FBA] =	sst s0  }
0x18: {  	s0 =	sld [smem:$0x3F9D];
	_ =	swait.ge [sflag:s4], $0x0  }
0x19: {  	s7 =	sld [smem:$0x3F9E]  }
0x1a: {  	s8 =	sadd.s32 $0xFFFFE003, lr  }
0x1b: {  	s9 =	sadd.s32 $0xFFFFFEF7, lr;
	s5 =	simm.s32 $0xFFFFFFFF;
	p2 =	slt.u32 s8, $0xFFFFF086  }
0x1c: {  	p1 =	slt.u32 s9, $0xF7A;
	s5 =	simm.s32 @!p2 $0x0  }
0x1d: {  	s5 =	simm.s32 @p1 $0x1;
	p0 =	seq.s32 s7, s2  }
0x1e: {  	s7 =	smul.u32 @!p0 $0xF7A, s2;
	p2 =	seq.s32 @!p0 s5, $0x0  }
0x1f: {  	s9 =	smul.u32 $0xF7A, s1;
	s8 =	simm.s32 @!p0 $0x1BF5;
	p2 =	por !p2, p0  }
0x20: {  	[sflag:s8] =	ssyncset.s32 @!p0 $0xFFFFF086;
	s6 =	sadd.s32 @!p0 s3, s7;
	s7 =	simm.s32 @!p0 $0x108  }
0x21: {  	s3 =	sadd.s32 s3, s9;
	s6 =	sadd.s32 @!p0 $0x88, s6;
	s7 =	simm.s32 @p2 $0x1082  }
0x22: {  	[simem:s7], [sflag:s8] =	dma.local @!p0 [hbm:s6], $0xF7A  }
0x23: {  	s9 =	sor.u32 $0xD0000000, s2;
	s6 =	simm.s32 $0x108;
	_ =	swait.ge @!p0 [sflag:s8], $0x0  }
0x24: {  	s3 =	sadd.s32 $0x88, s3;
	s6 =	simm.s32 @!p1 $0x1082;
	[sflag:s4] =	ssyncset.s32 $0xFFFFF086  }
0x25: {  	[simem:s6], [sflag:s4] =	dma.local [hbm:s3], $0xF7A  }
0x26: {  	[smem:$0x3F9E] =	sst s1;
	(tag) =	ssettag s2;
	_ =	strace s9  }
0x27: {  	s1 =	sld [smem:$0x3FAE]  }
0x28: {  	s2 =	sld [smem:$0x3FAF]  }
0x29: {  	s4 =	sld [smem:$0x3FB1]  }
0x2a: {  	p0 =	seq.s32 s5, $0x0;
	s5 =	sld [smem:$0x3FB2]  }
0x2b: {  	s6 =	sld [smem:$0x3FB3]  }
0x2c: {  	s7 =	sld [smem:$0x3FB4]  }
0x2d: {  	s3 =	simm.s32 $0x108;
	s8 =	sld [smem:$0x3FB5]  }
0x2e: {  	s3 =	simm.s32 @!p0 $0x1082;
	s9 =	sld [smem:$0x3FB6]  }
0x2f: {  	lr =	sadd.s32 s0, s3;
	s0 =	sld [smem:$0x3FAD]  }
0x30: {  	s3 =	sld [smem:$0x3FB0]  }
0x31: {  	[smem:$0x3FB9] =	sst s10  }
0x32: {  	s10 =	sld [smem:$0x3FB7];
	_ =	sdelay $0x3  }
0x33: {  	p0 =	seq.s32 s10, $0x1;
	s10 =	sld [smem:$0x3FB9];
	_ =	sdelay $0x3  }
0x34: {  	[smem:$0x3FB9] =	sst s10  }
0x35: {  	s10 =	sld [smem:$0x3FB8];
	_ =	sdelay $0x3  }
0x36: {  	p1 =	seq.s32 s10, $0x1;
	s10 =	sld [smem:$0x3FB9];
	_ =	sdelay $0x3  }
0x37: {  	[smem:$0x3FB9] =	sst s10  }
0x38: {  	s10 =	sld [smem:$0x3FBA]  }
0x39: {  	_ = 	snop;
	(pc) =	sbr.ind lr, $3  }
0x3a: {  	_ = 	snop  }
0x3b: {  	_ = 	snop  }
0x3c: {  	p2 =	seq.s32 s10, $0x1;
	s10 =	sld [smem:$0x3FB9]  }
0x3d: {  	_ =	shalt  }
0x3e: {  	_ =	shalt  }
0x3f: {  	_ =	shalt  }
0x40: {  	_ =	shalt  }
0x41: {  	_ =	shalt  }
0x42: {  	_ =	shalt  }
0x43: {  	_ =	shalt  }
0x44: {  	_ =	shalt  }
0x45: {  	_ =	shalt  }
0x46: {  	_ =	shalt  }
0x47: {  	_ =	shalt  }
0x48: {  	_ =	shalt  }
0x49: {  	_ =	shalt  }
0x4a: {  	_ =	shalt  }
0x4b: {  	_ =	shalt  }
0x4c: {  	_ =	shalt  }
0x4d: {  	_ =	shalt  }
0x4e: {  	_ =	shalt  }
0x4f: {  	_ =	shalt  }
0x50: {  	_ =	shalt  }
0x51: {  	_ =	shalt  }
0x52: {  	_ =	shalt  }
0x53: {  	_ =	shalt  }
0x54: {  	_ =	shalt  }
0x55: {  	_ =	shalt  }
0x56: {  	_ =	shalt  }
0x57: {  	_ =	shalt  }
0x58: {  	_ =	shalt  }
0x59: {  	_ =	shalt  }
0x5a: {  	_ =	shalt  }
0x5b: {  	_ =	shalt  }
0x5c: {  	_ =	shalt  }
0x5d: {  	_ =	shalt  }
0x5e: {  	_ =	shalt  }
0x5f: {  	_ =	shalt  }
0x60: {  	_ =	shalt  }
0x61: {  	_ =	shalt  }
0x62: {  	_ =	shalt  }
0x63: {  	_ =	shalt  }
0x64: {  	_ =	shalt  }
0x65: {  	_ =	shalt  }
0x66: {  	_ =	shalt  }
0x67: {  	_ =	shalt  }
0x68: {  	_ =	shalt  }
0x69: {  	_ =	shalt  }
0x6a: {  	_ =	shalt  }
0x6b: {  	_ =	shalt  }
0x6c: {  	_ =	shalt  }
0x6d: {  	_ =	shalt  }
0x6e: {  	_ =	shalt  }
0x6f: {  	_ =	shalt  }
0x70: {  	_ =	shalt  }
0x71: {  	_ =	shalt  }
0x72: {  	_ =	shalt  }
0x73: {  	_ =	shalt  }
0x74: {  	_ =	shalt  }
0x75: {  	_ =	shalt  }
0x76: {  	_ =	shalt  }
0x77: {  	_ =	shalt  }
0x78: {  	_ =	shalt  }
0x79: {  	_ =	shalt  }
0x7a: {  	_ =	shalt  }
0x7b: {  	_ =	shalt  }
0x7c: {  	_ =	shalt  }
0x7d: {  	_ =	shalt  }
0x7e: {  	_ =	shalt  }
0x7f: {  	_ =	shalt  }
0x80: {  	_ =	shalt  }
0x81: {  	_ =	shalt  }
0x82: {  	_ =	shalt  }
0x83: {  	_ =	shalt  }
0x84: {  	_ =	shalt  }
0x85: {  	_ =	shalt  }
0x86: {  	_ =	shalt  }
0x87: {  	_ =	shalt  }
.Lfunc_end0:
.L_simem_size_0:
called_computation_lowered:
.L_overlay_start_0:
0x88: {  	s2 =	sld [smem:$0x3FD9]  }
0x89: {  	s3 =	sld [smem:$0x3FFE];
	_ =	sdelay $0x1  }
0x8a: {  	s1 =	srdreg.scid  }
0x8b: {  	s0 =	sand.u32 $0x1, s1  }
0x8c: {  	s18 =	sshll.u32 s0, $0xA;
	s2 =	sadd.s32 s3, s2  }
0x8d: {  	s2 =	sadd.s32 s2, s18  }
0x8e: {  	[smem:$0x3FC5] =	sst s2  }
0x8f: {  	_ = 	snop  }
0x90: {  	s2 =	sld [smem:$0x3FC9]  }
0x91: {  	s19 =	sld [smem:$0x3FC8]  }
0x92: {  	s4 =	sld [smem:$0x3FC7]  }
0x93: {  	s5 =	sld [smem:$0x3FD0];
	(tm) =	ssettm $0x1  }
0x94: {  	s6 =	sld [smem:$0x3FFB];
	_ =	sdelay $0x3  }
0x95: {  	_ =	strace s6  }
0x96: {  	s6 =	sld [smem:$0x3FFC];
	_ =	sdelay $0x3  }
0x97: {  	_ =	strace s6  }
0x98: {  	s6 =	sld [smem:$0x3FFD];
	_ =	sdelay $0x3  }
0x99: {  	_ =	strace s6  }
0x9a: {  	_ =	strace $0x8FFFFFFF  }
0x9b: {  	s20 =	sld [smem:$0x3FDB];
	_ =	sdelay $0x1  }
0x9c: {  	s7 =	simm.s32 $_scs_section_size  }
0x9d: {  	s8 =	simm.s32 $_size__tile_overlayer_lowered;
	s9 =	simm.s32 $_tile_overlayer_lowered  }
0x9e: {  	s23 =	simm.s32 $0x1BFF;
	s22 =	sshll.u32 s9, $0x1;
	s6 =	sadd.s32 s7, s20  }
0x9f: {  	s10 =	simm.s32 $0x0;
	s21 =	sshll.u32 s8, $0x1;
	s8 =	sadd.s32 s22, s6  }
0xa0: {  	[timem:s10], [sflag:s23] =	dma.local [hbm:s8], s21  }
0xa1: {  	_ =	swait.ge [sflag:s23], s21  }
0xa2: {  	s7 =	ssub.s32 $0x0, s21;
	[sflag:s23] =	ssyncset.done $0x0  }
0xa3: {  	[sflag:s23] =	ssyncadd.s32 s7;
	_ =	sdelay $0x1  }
0xa4: {  	s24 =	simm.s32 $0x1B8B  }
0xa5: {  	_ =	swait.ge [sflag:s24], $0x1  }
0xa6: {  	[sflag:s24] =	ssyncset.done $0x0  }
0xa7: {  	s25 =	simm.s32 $0x1B8E;
	[sflag:s24] =	ssyncadd.s32 $0xFFFFFFFF  }
0xa8: {  	s26 =	simm.s32 $execute0_lowered;
	[smem:$0x3FD2] =	sst s25  }
0xa9: {  	s7 =	sshll.u32 s26, $0x1;
	_ =	strace $0x80000046;
	[dreg:$0x1] =	wrdreg $0xFFFFFFFF  }
0xaa: {  	s28 =	simm.s32 $_size_execute0_lowered;
	s6 =	sadd.s32 s6, s7;
	[dreg:$0x0] =	wrdreg $0x0  }
0xab: {  	s7 =	sshll.u32 s28, $0x1;
	[dreg:$0x2] =	wrdreg s6  }
0xac: {  	[dreg:$0x3] =	wrdreg s7  }
0xad: {  	[dreg:$0x4] =	wrdreg $0xC0  }
0xae: {  	_ =	task [dreg:s10], $0x5FFFF  }
0xaf: {  	[dreg:$0x1] =	wrdreg $0xFFFFFFFF  }
0xb0: {  	[dreg:$0x0] =	wrdreg $0x60  }
0xb1: {  	[dreg:$0x2] =	wrdreg s2  }
0xb2: {  	[dreg:$0x3] =	wrdreg s19  }
0xb3: {  	[dreg:$0x4] =	wrdreg s4  }
0xb4: {  	[dreg:$0x5] =	wrdreg s5  }
0xb5: {  	[dreg:$0x6] =	wrdreg $0x9  }
0xb6: {  	_ =	task.clear_ibuf [dreg:s10], $0x7FFFF;
	_ =	strace $0x90000046  }
0xb7: {  	s29 =	simm.s32 $0x9;
	_ =	strace $0x80000048  }
0xb8: {  	_ =	swait.ge [sflag:s29], $0x1  }
0xb9: {  	[sflag:s29] =	ssyncadd.s32 $0xFFFFFFFF  }
0xba: {  	_ =	strace $0x90000048  }
0xbb: {  	_ =	sfence  }
0xbc: {  	s30 =	sld [smem:$0x0];
	_ =	sdelay $0x2  }
0xbd: {  	s31 =	sshll.u32 s1, $0xD;
	s1 =	sshrl.u32 s1, $0x2  }
0xbe: {  	s3 =	sand.u32 $0x4000, s31;
	s1 =	sadd.s32 s1, s30  }
0xbf: {  	s0 =	sor.u32 s3, s0;
	s1 =	sshll.u32 s1, $0x11  }
0xc0: {  	s0 =	sor.u32 s1, s0  }
0xc1: {  	s0 =	sadd.s32 $0x8F2B, s0  }
0xc2: {  	[sflag:s0] =	ssyncadd.remote.s32 $0x1  }
0xc3: {  	_ =	sfence.sel $0xFFFF  }
0xc4: {  	[dreg:$0x0] =	wrdreg $0xFFFFFFFF;
	(pc) =	sbr.abs _section_cstart, $3  }
0xc5: {  	[dreg:$0x1] =	wrdreg $0xFFFFFFFF  }
0xc6: {  	_ =	task.clear_ibuf [dreg:s10], $0x2FFFF;
	_ =	strace $0x9FFFFFFF  }
0xc7: {  	(tm) =	ssettm $0x7FFFFFFF  }
tec
execute0_lowered:
.L_overlay_start_1:
0x0: {  	(tag) =	ssettag $0x1  }
0x1: {  	s0 =	rddreg [dreg:$0x0]  }
0x2: {  	s1 =	rddreg [dreg:$0x1]  }
0x3: {  	s2 =	rddreg [dreg:$0x2]  }
0x4: {  	s4 =	rddreg [dreg:$0x3]  }
0x5: {  	s3 =	srdreg.scid;
	s6 =	stileid.u32  }
0x6: {  	s14 =	simm.s32 $0xA;
	s15 =	simm.s32 $0x80;
	s17 =	simm.s32 $0x10200  }
0x7: {  	s19 =	simm.s32 $0x200;
	s21 =	simm.s32 $0x4200;
	s22 =	simm.s32 $0x8200  }
0x8: {  	s28 =	simm.s32 $0x2;
	s29 =	simm.s32 $0x5;
	s30 =	simm.s32 $0x3  }
0x9: {  	s31 =	simm.s32 $0x6;
	s18 =	simm.s32 $0x9;
	s20 =	simm.s32 $0x0  }
0xa: {  	s5 =	sand.u32 $0x1, s3;
	s3 =	simm.s32 $0x0;
	s6 =	sshll.u32 s6, $0xA  }
0xb: {  	s7 =	sshll.u32 s5, $0x9;
	[smem:$0x7FF] =	sst s3;
	s5 =	ssub.s32 $0x2, s5  }
0xc: {  	s6 =	sor.u32 s7, s6;
	_ =	strace $0x80000047;
	s23 =	sshrl.u32 s5, $0x1  }
0xd: {  	s8 =	sshrl.u32 s6, $0x3;
	s5 =	ssub.s32 s5, s23;
	s24 =	sshll.u32 s6, $0x4  }
0xe: {  	s23 =	simm.s32 $0xC200;
	s1 =	sadd.s32 s1, s8;
	s6 =	sadd.s32 s0, s24  }
0xf: {  	s25 =	sor.u32 $0x800, s24;
	s11 =	sor.u32 $0x1000, s24;
	s12 =	sor.u32 $0x1800, s24  }
0x10: {  	s9 =	sadd.s32 s4, s24;
	s13 =	smax.u32 s5, $0x1;
	[dreg:$0x5] =	wrdreg s1  }
0x11: {  	s24 =	simm.s32 $0x1;
	[dreg:$0x6] =	wrdreg s6;
	s26 =	sadd.s32 s0, s25  }
0x12: {  	s7 =	sadd.s32 s0, s11;
	s8 =	sadd.s32 s0, s12;
	s10 =	sadd.s32 s4, s25  }
0x13: {  	s11 =	sadd.s32 s4, s11;
	s12 =	sadd.s32 s4, s12;
	s25 =	simm.s32 $0x4  }
0x14: {  	s0 =	simm.s32 $0x7;
	s1 =	simm.s32 $0x8;
	[dreg:$0x7] =	wrdreg s26  }
.LBB2_1:
0x15: {  	s4 =	rddreg [dreg:$0x5]  }
0x16: {  	[tilespmem:s3], [sflag:$0xA] =	stream.linear.gather [hbm4b:s4+s3], $0x200, $0x38;
	[tilespmem:$0x1C200] =	vst v63  }
0x17: {  	_ =	swait.ge [sflag:s14], $0x200  }
0x18: {  	[sflag:s14] =	ssyncset.done $0x0  }
0x19: {  	[sflag:s14] =	ssyncadd.s32 $0xFFFFFE00  }
0x1a: {  	[tilespmem:s17], [sflag:$0x1] =	stream.indirect.gather [hbm4b:s2+s15], $0x80, s3, s15, $0xb8;
	[tilespmem:$0x1C200] =	vst v63  }
0x1b: {  	s5 =	rddreg [dreg:$0x6]  }
0x1c: {  	[tilespmem:s19], [sflag:$0x4] =	stream.linear.gather [hbm4b:s5+s3], $0x4000, $0x38;
	[tilespmem:$0x1C200] =	vst v63  }
0x1d: {  	s6 =	simm.s32 $0x14200  }
0x1e: {  	[tilespmem:s6], [sflag:$0x2] =	stream.indirect.gather [hbm4b:s2+s15], $0x80, s15, s15, $0xb8;
	[tilespmem:$0x1C200] =	vst v63  }
0x1f: {  	s16 =	rddreg [dreg:$0x7]  }
0x20: {  	[tilespmem:s21], [sflag:$0x5] =	stream.linear.gather [hbm4b:s16+s3], $0x4000, $0x38;
	[tilespmem:$0x1C200] =	vst v63  }
0x21: {  	s17 =	simm.s32 $0x100;
	s5 =	simm.s32 $0x18200  }
0x22: {  	[tilespmem:s5], [sflag:$0x3] =	stream.indirect.gather [hbm4b:s2+s15], $0x80, s17, s15, $0xb8;
	[tilespmem:$0x1C200] =	vst v63  }
0x23: {  	_ = 	snop  }
0x24: {  	[tilespmem:s22], [sflag:$0x6] =	stream.linear.gather [hbm4b:s7+s3], $0x4000, $0x38;
	[tilespmem:$0x1C200] =	vst v63  }
0x25: {  	_ = 	snop  }
0x26: {  	[tilespmem:s23], [sflag:$0x7] =	stream.linear.gather [hbm4b:s8+s3], $0x4000, $0x38;
	[tilespmem:$0x1C200] =	vst v63  }
0x27: {  	_ =	swait.ge [sflag:s24], $0x4000  }
0x28: {  	[sflag:s24] =	ssyncset.done $0x0  }
0x29: {  	[sflag:s24] =	ssyncadd.s32 $0xFFFFC000  }
0x2a: {  	_ =	swait.ge [sflag:s25], $0x4000  }
0x2b: {  	[sflag:s25] =	ssyncset.done $0x0  }
0x2c: {  	s21 =	simm.s32 $0x280;
	[sflag:s25] =	ssyncadd.s32 $0xFFFFC000  }
0x2d: {  	s19 =	simm.s32 $0x10280;
	v0 =	vld [tilespmem:s21+$0x0]  }
0x2e: {  	v1 =	vld [tilespmem:s19+$0x0];
	_ =	sdelay $0x3  }
0x2f: {  	v2 =	vld [tilespmem:s21+$0xFFFFFF80]  }
0x30: {  	v0 =	vmul.f32 v1, v0;
	v1 =	vld [tilespmem:s19+$0xFFFFFF80];
	_ =	sdelay $0x1  }
0x31: {  	[tilespmem:s21+$0x0] =	vst v0;
	v0 =	vld [tilespmem:s21+$0x10]  }
0x32: {  	v3 =	vld [tilespmem:s19+$0x10];
	_ =	sdelay $0x1  }
0x33: {  	v1 =	vmul.f32 v1, v2;
	_ =	sdelay $0x1  }
0x34: {  	v4 =	vld [tilespmem:s21+$0xFFFFFF90];
	[tilespmem:s21+$0xFFFFFF80] =	vst v1  }
0x35: {  	v0 =	vmul.f32 v3, v0;
	v1 =	vld [tilespmem:s19+$0xFFFFFF90];
	_ =	sdelay $0x1  }
0x36: {  	[tilespmem:s21+$0x10] =	vst v0;
	v0 =	vld [tilespmem:s21+$0x20]  }
0x37: {  	v3 =	vld [tilespmem:s19+$0x20]  }
0x38: {  	v5 =	vld [tilespmem:s21+$0xFFFFFFB0]  }
0x39: {  	s26 =	simm.s32 $0x380;
	v6 =	vld [tilespmem:s21+$0xFFFFFFD0];
	v1 =	vmul.f32 v1, v4  }
0x3a: {  	v7 =	vld [tilespmem:s26+$0x0]  }
0x3b: {  	v2 =	vld [tilespmem:s21+$0xFFFFFFA0];
	[tilespmem:s21+$0xFFFFFF90] =	vst v1  }
0x3c: {  	v0 =	vmul.f32 v3, v0;
	v1 =	vld [tilespmem:s19+$0xFFFFFFA0]  }
0x3d: {  	v8 =	vld [tilespmem:s21+$0xFFFFFFE0]  }
0x3e: {  	[tilespmem:s21+$0x20] =	vst v0;
	v0 =	vld [tilespmem:s21+$0x30]  }
0x3f: {  	s4 =	simm.s32 $0x10380;
	v3 =	vld [tilespmem:s19+$0x30]  }
0x40: {  	v10 =	vld [tilespmem:s4+$0xFFFFFF80]  }
0x41: {  	v1 =	vmul.f32 v1, v2;
	v2 =	vld [tilespmem:s4+$0x0]  }
0x42: {  	v12 =	vld [tilespmem:s26+$0xFFFFFF90]  }
0x43: {  	s5 =	simm.s32 $0x10480;
	v13 =	vld [tilespmem:s26+$0xFFFFFFD0]  }
0x44: {  	v15 =	vld [tilespmem:s5+$0xFFFFFF80];
	v0 =	vmul.f32 v3, v0  }
0x45: {  	[tilespmem:s21+$0xFFFFFFA0] =	vst v1;
	v1 =	vld [tilespmem:s21+$0x40]  }
0x46: {  	[tilespmem:s21+$0x30] =	vst v0;
	v2 =	vmul.f32 v2, v7;
	v7 =	vld [tilespmem:s26+$0xFFFFFF80]  }
0x47: {  	s16 =	simm.s32 $0x480;
	v9 =	vld [tilespmem:s19+$0x40]  }
0x48: {  	v16 =	vld [tilespmem:s16+$0xFFFFFF80]  }
0x49: {  	v3 =	vld [tilespmem:s19+$0xFFFFFFB0]  }
0x4a: {  	v17 =	vld [tilespmem:s26+$0x50]  }
0x4b: {  	[tilespmem:s26+$0x0] =	vst v2;
	v2 =	vld [tilespmem:s26+$0x10];
	v7 =	vmul.f32 v10, v7  }
0x4c: {  	v11 =	vld [tilespmem:s4+$0x10];
	v1 =	vmul.f32 v9, v1  }
0x4d: {  	v9 =	vld [tilespmem:s21+$0x50];
	[tilespmem:s26+$0xFFFFFF80] =	vst v7  }
0x4e: {  	[tilespmem:s21+$0x40] =	vst v1;
	v1 =	vmul.f32 v3, v5;
	v5 =	vld [tilespmem:s4+$0xFFFFFF90]  }
0x4f: {  	v3 =	vld [tilespmem:s19+$0x50]  }
0x50: {  	v60 =	vld [tilespmem:s16+$0xFFFFFFA0]  }
0x51: {  	v4 =	vld [tilespmem:s21+$0xFFFFFFC0];
	v2 =	vmul.f32 v11, v2;
	[tilespmem:s21+$0xFFFFFFB0] =	vst v1  }
0x52: {  	v1 =	vld [tilespmem:s19+$0xFFFFFFC0]  }
0x53: {  	[tilespmem:s26+$0x10] =	vst v2;
	v2 =	vld [tilespmem:s26+$0x20]  }
0x54: {  	v5 =	vmul.f32 v5, v12;
	v3 =	vmul.f32 v3, v9;
	v9 =	vld [tilespmem:s4+$0x20]  }
0x55: {  	v18 =	vld [tilespmem:s26+$0x60];
	v15 =	vmul.f32 v15, v16  }
0x56: {  	v10 =	vld [tilespmem:s26+$0xFFFFFFA0];
	[tilespmem:s26+$0xFFFFFF90] =	vst v5  }
0x57: {  	[tilespmem:s16+$0xFFFFFF80] =	vst v15;
	v1 =	vmul.f32 v1, v4;
	v4 =	vld [tilespmem:s4+$0xFFFFFFA0]  }
0x58: {  	v15 =	vld [tilespmem:s5+$0xFFFFFF90]  }
0x59: {  	v0 =	vld [tilespmem:s21+$0xFFFFFFF0];
	[tilespmem:s21+$0xFFFFFFC0] =	vst v1;
	v1 =	vmul.f32 v9, v2  }
0x5a: {  	v7 =	vld [tilespmem:s26+$0xFFFFFFB0]  }
0x5b: {  	v5 =	vld [tilespmem:s26+$0x30];
	[tilespmem:s26+$0x20] =	vst v1  }
0x5c: {  	v4 =	vmul.f32 v4, v10;
	v10 =	vld [tilespmem:s4+$0x30]  }
0x5d: {  	v2 =	vld [tilespmem:s19+$0xFFFFFFD0]  }
0x5e: {  	v11 =	vld [tilespmem:s21+$0x60]  }
0x5f: {  	v12 =	vld [tilespmem:s26+$0xFFFFFFC0];
	[tilespmem:s21+$0x50] =	vst v3  }
0x60: {  	v3 =	vld [tilespmem:s19+$0x60]  }
0x61: {  	[tilespmem:s26+$0xFFFFFFA0] =	vst v4;
	v4 =	vld [tilespmem:s16+$0x0];
	v5 =	vmul.f32 v10, v5  }
0x62: {  	v2 =	vmul.f32 v2, v6;
	v6 =	vld [tilespmem:s5+$0x0]  }
0x63: {  	v10 =	vld [tilespmem:s26+$0x40];
	[tilespmem:s26+$0x30] =	vst v5  }
0x64: {  	v5 =	vld [tilespmem:s4+$0x40]  }
0x65: {  	v9 =	vld [tilespmem:s21+$0x70];
	v3 =	vmul.f32 v3, v11  }
0x66: {  	v1 =	vld [tilespmem:s26+$0xFFFFFFE0]  }
0x67: {  	[tilespmem:s21+$0x60] =	vst v3;
	v3 =	vld [tilespmem:s4+$0xFFFFFFB0];
	v4 =	vmul.f32 v6, v4  }
0x68: {  	v6 =	vld [tilespmem:s16+$0xFFFFFF90]  }
0x69: {  	[tilespmem:s16+$0x0] =	vst v4;
	v4 =	vld [tilespmem:s16+$0x10];
	v5 =	vmul.f32 v5, v10  }
0x6a: {  	v10 =	vld [tilespmem:s5+$0x10]  }
0x6b: {  	v11 =	vld [tilespmem:s19+$0x70];
	[tilespmem:s26+$0x40] =	vst v5  }
0x6c: {  	v3 =	vmul.f32 v3, v7;
	v7 =	vld [tilespmem:s4+$0x50]  }
0x6d: {  	[tilespmem:s21+$0xFFFFFFD0] =	vst v2;
	v2 =	vld [tilespmem:s26+$0xFFFFFFF0]  }
0x6e: {  	v14 =	vld [tilespmem:s19+$0xFFFFFFE0];
	[tilespmem:s26+$0xFFFFFFB0] =	vst v3;
	v6 =	vmul.f32 v15, v6  }
0x6f: {  	v3 =	vmul.f32 v10, v4;
	v10 =	vld [tilespmem:s4+$0xFFFFFFC0]  }
0x70: {  	[tilespmem:s16+$0xFFFFFF90] =	vst v6;
	v6 =	vld [tilespmem:s16+$0xFFFFFFE0]  }
0x71: {  	v5 =	vld [tilespmem:s16+$0xFFFFFFB0];
	[tilespmem:s16+$0x10] =	vst v3;
	v3 =	vmul.f32 v7, v17  }
0x72: {  	v7 =	vld [tilespmem:s16+$0x20]  }
0x73: {  	v15 =	vld [tilespmem:s5+$0x20];
	[tilespmem:s26+$0x50] =	vst v3  }
0x74: {  	v10 =	vmul.f32 v10, v12;
	v12 =	vld [tilespmem:s4+$0x60]  }
0x75: {  	v61 =	vld [tilespmem:s5+$0xFFFFFFA0]  }
0x76: {  	v4 =	vld [tilespmem:s16+$0xFFFFFFC0];
	[tilespmem:s26+$0xFFFFFFC0] =	vst v10  }
0x77: {  	v10 =	vld [tilespmem:s4+$0xFFFFFFD0]  }
0x78: {  	v3 =	vld [tilespmem:s16+$0xFFFFFFD0];
	v7 =	vmul.f32 v15, v7  }
0x79: {  	v15 =	vld [tilespmem:s26+$0x70];
	v12 =	vmul.f32 v12, v18  }
0x7a: {  	[tilespmem:s16+$0x20] =	vst v7;
	v7 =	vmul.f32 v14, v8;
	v14 =	vld [tilespmem:s16+$0x30]  }
0x7b: {  	v8 =	vmul.f32 v61, v60;
	v62 =	vld [tilespmem:s5+$0x30];
	[tilespmem:s26+$0x60] =	vst v12  }
0x7c: {  	[tilespmem:s21+$0xFFFFFFE0] =	vst v7;
	v7 =	vmul.f32 v10, v13;
	v63 =	vld [tilespmem:s4+$0x70]  }
0x7d: {  	[tilespmem:s16+$0xFFFFFFA0] =	vst v8;
	v8 =	vld [tilespmem:s19+$0xFFFFFFF0]  }
0x7e: {  	v12 =	vld [tilespmem:s5+$0xFFFFFFB0];
	[tilespmem:s26+$0xFFFFFFD0] =	vst v7  }
0x7f: {  	v10 =	vmul.f32 v11, v9;
	v9 =	vld [tilespmem:s4+$0xFFFFFFE0]  }
0x80: {  	v7 =	vld [tilespmem:s16+$0xFFFFFFF0];
	v13 =	vmul.f32 v62, v14  }
0x81: {  	s6 =	simm.s32 $0x580;
	s17 =	simm.s32 $0x10480;
	s19 =	simm.s32 $0x4;
	[tilespmem:s21+$0x70] =	vst v10;
	v10 =	vld [tilespmem:s16+$0x40];
	v11 =	vmul.f32 v63, v15  }
.LBB2_2:
0x82: {  	v14 =	vld [tilespmem:s6+$0x0];
	[tilespmem:s16+$0x30] =	vst v13;
	s5 =	sadd.s32 $0x100, s5;
	v8 =	vmul.f32 v8, v0;
	v0 =	vmov v2  }
0x83: {  	v13 =	vld [tilespmem:s5+$0x0];
	v12 =	vmul.f32 v12, v5;
	[tilespmem:s26+$0x70] =	vst v11  }
0x84: {  	s19 =	sadd.s32 $0x2, s19;
	v5 =	vld [tilespmem:s17+$0x40];
	v9 =	vmul.f32 v9, v1;
	[tilespmem:s21+$0xFFFFFFF0] =	vst v8;
	v1 =	vmov v6;
	s21 =	smov.u32 s26;
	s26 =	smov.u32 s16  }
0x85: {  	p0 =	slt.u32 s19, $0x7E;
	s16 =	smov.u32 s6;
	v6 =	vld [tilespmem:s5+$0xFFFFFF80];
	[tilespmem:s26+$0xFFFFFFB0] =	vst v12;
	v2 =	vmov v7  }
0x86: {  	v7 =	vld [tilespmem:s6+$0xFFFFFF80];
	[tilespmem:s21+$0xFFFFFFE0] =	vst v9  }
0x87: {  	v8 =	vld [tilespmem:s6+$0xFFFFFF90]  }
0x88: {  	v9 =	vld [tilespmem:s6+$0xFFFFFFA0];
	v11 =	vmul.f32 v13, v14  }
0x89: {  	v5 =	vmul.f32 v5, v10;
	v10 =	vld [tilespmem:s26+$0x50]  }
0x8a: {  	[tilespmem:s6+$0x0] =	vst v11;
	v11 =	vld [tilespmem:s6+$0x10]  }
0x8b: {  	v6 =	vmul.f32 v6, v7;
	v7 =	vld [tilespmem:s5+$0x10];
	[tilespmem:s26+$0x40] =	vst v5  }
0x8c: {  	v12 =	vld [tilespmem:s17+$0x50]  }
0x8d: {  	[tilespmem:s6+$0xFFFFFF80] =	vst v6;
	v5 =	vld [tilespmem:s6+$0xFFFFFFB0]  }
0x8e: {  	v6 =	vld [tilespmem:s5+$0xFFFFFF90]  }
0x8f: {  	v13 =	vld [tilespmem:s17+$0xFFFFFFC0]  }
0x90: {  	v14 =	vld [tilespmem:s6+$0xFFFFFFC0];
	v7 =	vmul.f32 v7, v11  }
0x91: {  	v10 =	vmul.f32 v12, v10;
	v11 =	vld [tilespmem:s26+$0x60]  }
0x92: {  	[tilespmem:s6+$0x10] =	vst v7;
	v7 =	vld [tilespmem:s6+$0x20]  }
0x93: {  	v6 =	vmul.f32 v6, v8;
	v8 =	vld [tilespmem:s5+$0x20];
	[tilespmem:s26+$0x50] =	vst v10  }
0x94: {  	v10 =	vmul.f32 v13, v4;
	v12 =	vld [tilespmem:s17+$0x60]  }
0x95: {  	[tilespmem:s6+$0xFFFFFF90] =	vst v6;
	v13 =	vld [tilespmem:s6+$0xFFFFFFD0];
	v4 =	vmov v14  }
0x96: {  	v14 =	vld [tilespmem:s5+$0xFFFFFFA0];
	[tilespmem:s26+$0xFFFFFFC0] =	vst v10  }
0x97: {  	v10 =	vld [tilespmem:s17+$0xFFFFFFD0]  }
0x98: {  	v6 =	vld [tilespmem:s6+$0xFFFFFFE0];
	v7 =	vmul.f32 v8, v7  }
0x99: {  	v8 =	vmul.f32 v12, v11;
	v11 =	vld [tilespmem:s26+$0x70]  }
0x9a: {  	[tilespmem:s6+$0x20] =	vst v7;
	v15 =	vld [tilespmem:s6+$0x30]  }
0x9b: {  	v7 =	vmul.f32 v14, v9;
	v14 =	vld [tilespmem:s5+$0x30];
	[tilespmem:s26+$0x60] =	vst v8  }
0x9c: {  	v9 =	vmul.f32 v10, v3;
	v16 =	vld [tilespmem:s17+$0x70];
	v3 =	vmov v13  }
.Ltmp0:
0x9d: {  	[tilespmem:s6+$0xFFFFFFA0] =	vst v7;
	v8 =	vld [tilespmem:s4+$0xFFFFFFF0];
	s4 =	smov.u32 s17;
	s17 =	smov.u32 s5;
	(pc) =	sbr.rel @p0 .LBB2_2-.Ltmp0, $4  }
0x9e: {  	v12 =	vld [tilespmem:s5+$0xFFFFFFB0];
	[tilespmem:s26+$0xFFFFFFD0] =	vst v9  }
0x9f: {  	v9 =	vld [tilespmem:s4+$0xFFFFFFE0]  }
0xa0: {  	v7 =	vld [tilespmem:s6+$0xFFFFFFF0];
	v13 =	vmul.f32 v14, v15  }
0xa1: {  	s6 =	sadd.s32 $0x100, s6;
	v10 =	vld [tilespmem:s16+$0x40];
	v11 =	vmul.f32 v16, v11  }
0xa2: {  	_ = 	snop  }
0xa3: {  	[tilespmem:s16+$0x30] =	vst v13;
	v5 =	vmul.f32 v12, v5  }
0xa4: {  	v54 =	vld [tilespmem:s17+$0x40]  }
0xa5: {  	[tilespmem:s16+$0xFFFFFFB0] =	vst v5  }
0xa6: {  	v5 =	vld [tilespmem:s17+$0xFFFFFFC0];
	_ =	sdelay $0x2  }
0xa7: {  	v10 =	vmul.f32 v54, v10;
	_ =	sdelay $0x1  }
0xa8: {  	v55 =	vld [tilespmem:s16+$0x50];
	[tilespmem:s16+$0x40] =	vst v10;
	v4 =	vmul.f32 v5, v4  }
0xa9: {  	v5 =	vld [tilespmem:s17+$0x50]  }
0xaa: {  	[tilespmem:s16+$0xFFFFFFC0] =	vst v4  }
0xab: {  	v4 =	vld [tilespmem:s17+$0xFFFFFFD0];
	_ =	sdelay $0x2  }
0xac: {  	v5 =	vmul.f32 v5, v55;
	_ =	sdelay $0x1  }
0xad: {  	v56 =	vld [tilespmem:s16+$0x60];
	[tilespmem:s16+$0x50] =	vst v5;
	v3 =	vmul.f32 v4, v3  }
0xae: {  	v4 =	vld [tilespmem:s17+$0x60]  }
0xaf: {  	[tilespmem:s16+$0xFFFFFFD0] =	vst v3  }
0xb0: {  	v3 =	vld [tilespmem:s17+$0xFFFFFFE0];
	_ =	sdelay $0x2  }
0xb1: {  	v4 =	vmul.f32 v4, v56  }
0xb2: {  	v1 =	vmul.f32 v9, v1  }
0xb3: {  	v5 =	vld [tilespmem:s16+$0x70];
	[tilespmem:s16+$0x60] =	vst v4;
	v3 =	vmul.f32 v3, v6  }
0xb4: {  	[tilespmem:s26+$0xFFFFFFE0] =	vst v1;
	v1 =	vld [tilespmem:s17+$0x70]  }
0xb5: {  	v4 =	vld [tilespmem:s4+$0xFFFFFFF0];
	[tilespmem:s16+$0xFFFFFFE0] =	vst v3  }
0xb6: {  	v3 =	vld [tilespmem:s17+$0xFFFFFFF0];
	_ =	sdelay $0x1  }
0xb7: {  	v0 =	vmul.f32 v8, v0  }
0xb8: {  	[tilespmem:s26+$0x70] =	vst v11;
	v1 =	vmul.f32 v1, v5  }
0xb9: {  	[tilespmem:s21+$0xFFFFFFF0] =	vst v0;
	v0 =	vmul.f32 v4, v2  }
0xba: {  	[tilespmem:s16+$0x70] =	vst v1;
	v1 =	vmul.f32 v3, v7  }
0xbb: {  	[tilespmem:s26+$0xFFFFFFF0] =	vst v0  }
0xbc: {  	s19 =	simm.s32 $0x200;
	s21 =	simm.s32 $0x0;
	[tilespmem:s16+$0xFFFFFFF0] =	vst v1  }
0xbd: {  	[hbm4b:s9+s21] =	stream.linear.scatter [tilespmem:s19], [sflag:$0x8], $0x4000, $0x38;
	[tilespmem:$0x1C200] =	vst v63  }
0xbe: {  	s17 =	simm.s32 $0x10200;
	s26 =	simm.s32 $0x180  }
0xbf: {  	[tilespmem:s17], [sflag:$0x1] =	stream.indirect.gather [hbm4b:s2+s15], $0x80, s26, s15, $0xb8;
	[tilespmem:$0x1C200] =	vst v63  }
0xc0: {  	_ =	swait.ge [sflag:s28], $0x4000  }
0xc1: {  	[sflag:s28] =	ssyncset.done $0x0  }
0xc2: {  	[sflag:s28] =	ssyncadd.s32 $0xFFFFC000  }
0xc3: {  	_ =	swait.ge [sflag:s29], $0x4000  }
0xc4: {  	[sflag:s29] =	ssyncset.done $0x0  }
0xc5: {  	s4 =	simm.s32 $0x0;
	[sflag:s29] =	ssyncadd.s32 $0xFFFFC000  }
0xc6: {  	v0 =	vld [tilespmem:s4+$0x4200]  }
0xc7: {  	v1 =	vld [tilespmem:s4+$0x14200]  }
0xc8: {  	v2 =	vld [tilespmem:s4+$0x4210]  }
0xc9: {  	v3 =	vld [tilespmem:s4+$0x14210]  }
0xca: {  	v4 =	vld [tilespmem:s4+$0x4220]  }
0xcb: {  	v5 =	vld [tilespmem:s4+$0x14220]  }
0xcc: {  	v6 =	vld [tilespmem:s4+$0x14230]  }
0xcd: {  	v7 =	vld [tilespmem:s4+$0x42F0]  }
0xce: {  	v57 =	vld [tilespmem:s4+$0x142F0]  }
0xcf: {  	v58 =	vld [tilespmem:s4+$0x4270];
	v0 =	vmul.f32 v1, v0  }
0xd0: {  	v1 =	vld [tilespmem:s4+$0x4230]  }
0xd1: {  	[tilespmem:s4+$0x4200] =	vst v0;
	v0 =	vmul.f32 v3, v2;
	v2 =	vld [tilespmem:s4+$0x4240]  }
0xd2: {  	v3 =	vld [tilespmem:s4+$0x14240]  }
0xd3: {  	[tilespmem:s4+$0x4210] =	vst v0;
	v0 =	vmul.f32 v5, v4;
	v4 =	vld [tilespmem:s4+$0x4250]  }
0xd4: {  	v5 =	vld [tilespmem:s4+$0x14250]  }
0xd5: {  	[tilespmem:s4+$0x4220] =	vst v0;
	v0 =	vmul.f32 v6, v1;
	v6 =	vld [tilespmem:s4+$0x4260]  }
0xd6: {  	v1 =	vmul.f32 v57, v7;
	v7 =	vld [tilespmem:s4+$0x14260]  }
0xd7: {  	[tilespmem:s4+$0x4230] =	vst v0;
	v0 =	vld [tilespmem:s4+$0x4280]  }
0xd8: {  	[tilespmem:s4+$0x42F0] =	vst v1;
	v1 =	vld [tilespmem:s4+$0x14280]  }
0xd9: {  	v59 =	vld [tilespmem:s4+$0x4290]  }
0xda: {  	v60 =	vld [tilespmem:s4+$0x14290]  }
0xdb: {  	v61 =	vld [tilespmem:s4+$0x42A0]  }
0xdc: {  	v62 =	vld [tilespmem:s4+$0x142A0];
	v4 =	vmul.f32 v5, v4;
	v5 =	vmul.f32 v7, v6  }
0xdd: {  	v0 =	vmul.f32 v1, v0;
	v1 =	vmul.f32 v3, v2;
	v3 =	vld [tilespmem:s4+$0x14270]  }
0xde: {  	v63 =	vld [tilespmem:s4+$0x42B0];
	[tilespmem:s4+$0x4250] =	vst v4  }
0xdf: {  	v14 =	vld [tilespmem:s4+$0x142B0];
	[tilespmem:s4+$0x4260] =	vst v5  }
0xe0: {  	v2 =	vmul.f32 v60, v59;
	[tilespmem:s4+$0x4280] =	vst v0;
	v0 =	vld [tilespmem:s4+$0x42C0]  }
0xe1: {  	v4 =	vmul.f32 v62, v61;
	[tilespmem:s4+$0x4240] =	vst v1;
	v1 =	vld [tilespmem:s4+$0x142C0]  }
0xe2: {  	[tilespmem:s4+$0x4290] =	vst v2;
	v2 =	vld [tilespmem:s4+$0x42D0];
	v5 =	vmul.f32 v3, v58  }
0xe3: {  	[tilespmem:s4+$0x42A0] =	vst v4;
	v3 =	vld [tilespmem:s4+$0x142D0]  }
0xe4: {  	s5 =	simm.s32 $0x0;
	s6 =	simm.s32 $0x400;
	v4 =	vld [tilespmem:s4+$0x42E0];
	[tilespmem:s4+$0x4270] =	vst v5;
	v5 =	vmul.f32 v14, v63  }
.LBB2_4:
0xe5: {  	s16 =	sshra.s32 s6, $0x2;
	v6 =	vld [tilespmem:s4+$0x142E0]  }
0xe6: {  	s5 =	sadd.s32 $0x2, s5;
	v7 =	vld [tilespmem:s16+$0x42F0];
	[tilespmem:s4+$0x42B0] =	vst v5;
	v0 =	vmul.f32 v1, v0  }
0xe7: {  	p0 =	slt.u32 s5, $0x7E;
	v1 =	vld [tilespmem:s16+$0x142F0]  }
0xe8: {  	v5 =	vld [tilespmem:s16+$0x4200];
	[tilespmem:s4+$0x42C0] =	vst v0;
	v0 =	vmul.f32 v3, v2  }
0xe9: {  	v2 =	vld [tilespmem:s16+$0x14200]  }
0xea: {  	v3 =	vld [tilespmem:s16+$0x4210];
	[tilespmem:s4+$0x42D0] =	vst v0;
	v0 =	vmul.f32 v6, v4  }
0xeb: {  	v4 =	vld [tilespmem:s16+$0x14210]  }
0xec: {  	v6 =	vld [tilespmem:s16+$0x4220];
	v1 =	vmul.f32 v1, v7;
	[tilespmem:s4+$0x42E0] =	vst v0;
	s4 =	smov.u32 s16  }
0xed: {  	v0 =	vld [tilespmem:s4+$0x14220]  }
0xee: {  	v2 =	vmul.f32 v2, v5;
	v5 =	vld [tilespmem:s4+$0x4230];
	[tilespmem:s4+$0x42F0] =	vst v1  }
0xef: {  	v1 =	vld [tilespmem:s4+$0x14230]  }
0xf0: {  	[tilespmem:s4+$0x4200] =	vst v2;
	v2 =	vmul.f32 v4, v3;
	v3 =	vld [tilespmem:s4+$0x4240]  }
0xf1: {  	v4 =	vld [tilespmem:s4+$0x14240]  }
0xf2: {  	[tilespmem:s4+$0x4210] =	vst v2;
	v0 =	vmul.f32 v0, v6;
	v2 =	vld [tilespmem:s4+$0x4250]  }
0xf3: {  	v6 =	vld [tilespmem:s4+$0x14250]  }
0xf4: {  	[tilespmem:s4+$0x4220] =	vst v0;
	v0 =	vmul.f32 v1, v5;
	v1 =	vld [tilespmem:s4+$0x4260]  }
0xf5: {  	v5 =	vld [tilespmem:s4+$0x14260]  }
0xf6: {  	[tilespmem:s4+$0x4230] =	vst v0;
	v0 =	vmul.f32 v4, v3;
	v3 =	vld [tilespmem:s4+$0x4270]  }
0xf7: {  	v4 =	vld [tilespmem:s4+$0x14270]  }
0xf8: {  	[tilespmem:s4+$0x4240] =	vst v0;
	v0 =	vmul.f32 v6, v2;
	v2 =	vld [tilespmem:s4+$0x4280]  }
0xf9: {  	v6 =	vld [tilespmem:s4+$0x14280]  }
0xfa: {  	[tilespmem:s4+$0x4250] =	vst v0;
	v0 =	vmul.f32 v5, v1;
	v1 =	vld [tilespmem:s4+$0x4290]  }
0xfb: {  	v5 =	vld [tilespmem:s4+$0x14290]  }
0xfc: {  	[tilespmem:s4+$0x4260] =	vst v0;
	v0 =	vmul.f32 v4, v3;
	v3 =	vld [tilespmem:s4+$0x42A0]  }
0xfd: {  	v4 =	vld [tilespmem:s4+$0x142A0]  }
0xfe: {  	[tilespmem:s4+$0x4270] =	vst v0;
	v0 =	vmul.f32 v6, v2;
	v6 =	vld [tilespmem:s4+$0x42B0]  }
0xff: {  	v7 =	vld [tilespmem:s4+$0x142B0]  }
.Ltmp1:
0x100: {  	[tilespmem:s4+$0x4280] =	vst v0;
	v2 =	vmul.f32 v5, v1;
	v0 =	vld [tilespmem:s4+$0x42C0];
	(pc) =	sbr.rel @p0 .LBB2_4-.Ltmp1, $4  }
0x101: {  	v1 =	vld [tilespmem:s4+$0x142C0]  }
0x102: {  	[tilespmem:s4+$0x4290] =	vst v2;
	v4 =	vmul.f32 v4, v3;
	v2 =	vld [tilespmem:s4+$0x42D0]  }
0x103: {  	v3 =	vld [tilespmem:s4+$0x142D0]  }
0x104: {  	s6 =	sadd.s32 $0x400, s6;
	[tilespmem:s4+$0x42A0] =	vst v4;
	v5 =	vmul.f32 v7, v6;
	v4 =	vld [tilespmem:s4+$0x42E0]  }
0x105: {  	v6 =	vld [tilespmem:s4+$0x142E0];
	_ =	sdelay $0x2  }
0x106: {  	v0 =	vmul.f32 v1, v0  }
0x107: {  	[tilespmem:s4+$0x42B0] =	vst v5;
	v1 =	vmul.f32 v3, v2  }
0x108: {  	[tilespmem:s4+$0x42C0] =	vst v0;
	v0 =	vmul.f32 v6, v4  }
0x109: {  	[tilespmem:s4+$0x42D0] =	vst v1  }
0x10a: {  	s26 =	simm.s32 $0x0;
	s21 =	simm.s32 $0x4200;
	[tilespmem:s4+$0x42E0] =	vst v0  }
0x10b: {  	[hbm4b:s10+s26] =	stream.linear.scatter [tilespmem:s21], [sflag:$0x9], $0x4000, $0x38;
	[tilespmem:$0x1C200] =	vst v63  }
0x10c: {  	_ =	swait.ge [sflag:s30], $0x4000  }
0x10d: {  	[sflag:s30] =	ssyncset.done $0x0  }
0x10e: {  	[sflag:s30] =	ssyncadd.s32 $0xFFFFC000  }
0x10f: {  	_ =	swait.ge [sflag:s31], $0x4000  }
0x110: {  	[sflag:s31] =	ssyncset.done $0x0  }
0x111: {  	s4 =	simm.s32 $0x0;
	[sflag:s31] =	ssyncadd.s32 $0xFFFFC000  }
0x112: {  	v0 =	vld [tilespmem:s4+$0x8200]  }
0x113: {  	v1 =	vld [tilespmem:s4+$0x18200]  }
0x114: {  	v2 =	vld [tilespmem:s4+$0x8210]  }
0x115: {  	v3 =	vld [tilespmem:s4+$0x18210]  }
0x116: {  	v4 =	vld [tilespmem:s4+$0x8220]  }
0x117: {  	v5 =	vld [tilespmem:s4+$0x18220]  }
0x118: {  	v6 =	vld [tilespmem:s4+$0x18230]  }
0x119: {  	v7 =	vld [tilespmem:s4+$0x82F0]  }
0x11a: {  	v8 =	vld [tilespmem:s4+$0x182F0]  }
0x11b: {  	v63 =	vld [tilespmem:s4+$0x8270];
	v0 =	vmul.f32 v1, v0  }
0x11c: {  	v1 =	vld [tilespmem:s4+$0x8230]  }
0x11d: {  	[tilespmem:s4+$0x8200] =	vst v0;
	v0 =	vmul.f32 v3, v2;
	v2 =	vld [tilespmem:s4+$0x8240]  }
0x11e: {  	v3 =	vld [tilespmem:s4+$0x18240]  }
0x11f: {  	[tilespmem:s4+$0x8210] =	vst v0;
	v0 =	vmul.f32 v5, v4;
	v4 =	vld [tilespmem:s4+$0x8250]  }
0x120: {  	v5 =	vld [tilespmem:s4+$0x18250]  }
0x121: {  	[tilespmem:s4+$0x8220] =	vst v0;
	v0 =	vmul.f32 v6, v1;
	v6 =	vld [tilespmem:s4+$0x8260]  }
0x122: {  	v1 =	vmul.f32 v8, v7;
	v7 =	vld [tilespmem:s4+$0x18260]  }
0x123: {  	[tilespmem:s4+$0x8230] =	vst v0;
	v0 =	vld [tilespmem:s4+$0x8280]  }
0x124: {  	[tilespmem:s4+$0x82F0] =	vst v1;
	v1 =	vld [tilespmem:s4+$0x18280]  }
0x125: {  	v9 =	vld [tilespmem:s4+$0x8290]  }
0x126: {  	v10 =	vld [tilespmem:s4+$0x18290]  }
0x127: {  	v11 =	vld [tilespmem:s4+$0x82A0]  }
0x128: {  	v12 =	vld [tilespmem:s4+$0x182A0];
	v4 =	vmul.f32 v5, v4;
	v5 =	vmul.f32 v7, v6  }
0x129: {  	v0 =	vmul.f32 v1, v0;
	v1 =	vmul.f32 v3, v2;
	v3 =	vld [tilespmem:s4+$0x18270]  }
0x12a: {  	v13 =	vld [tilespmem:s4+$0x82B0];
	[tilespmem:s4+$0x8250] =	vst v4  }
0x12b: {  	v14 =	vld [tilespmem:s4+$0x182B0];
	[tilespmem:s4+$0x8260] =	vst v5  }
0x12c: {  	v2 =	vmul.f32 v10, v9;
	[tilespmem:s4+$0x8280] =	vst v0;
	v0 =	vld [tilespmem:s4+$0x82C0]  }
0x12d: {  	v4 =	vmul.f32 v12, v11;
	[tilespmem:s4+$0x8240] =	vst v1;
	v1 =	vld [tilespmem:s4+$0x182C0]  }
0x12e: {  	[tilespmem:s4+$0x8290] =	vst v2;
	v2 =	vld [tilespmem:s4+$0x82D0];
	v5 =	vmul.f32 v3, v63  }
0x12f: {  	[tilespmem:s4+$0x82A0] =	vst v4;
	v3 =	vld [tilespmem:s4+$0x182D0]  }
0x130: {  	s5 =	simm.s32 $0x0;
	s6 =	simm.s32 $0x400;
	v4 =	vld [tilespmem:s4+$0x82E0];
	[tilespmem:s4+$0x8270] =	vst v5;
	v5 =	vmul.f32 v14, v13  }
.LBB2_6:
0x131: {  	s16 =	sshra.s32 s6, $0x2;
	v6 =	vld [tilespmem:s4+$0x182E0]  }
0x132: {  	s5 =	sadd.s32 $0x2, s5;
	v7 =	vld [tilespmem:s16+$0x82F0];
	[tilespmem:s4+$0x82B0] =	vst v5;
	v0 =	vmul.f32 v1, v0  }
0x133: {  	p0 =	slt.u32 s5, $0x7E;
	v1 =	vld [tilespmem:s16+$0x182F0]  }
0x134: {  	v5 =	vld [tilespmem:s16+$0x8200];
	[tilespmem:s4+$0x82C0] =	vst v0;
	v0 =	vmul.f32 v3, v2  }
0x135: {  	v2 =	vld [tilespmem:s16+$0x18200]  }
0x136: {  	v3 =	vld [tilespmem:s16+$0x8210];
	[tilespmem:s4+$0x82D0] =	vst v0;
	v0 =	vmul.f32 v6, v4  }
0x137: {  	v4 =	vld [tilespmem:s16+$0x18210]  }
0x138: {  	v6 =	vld [tilespmem:s16+$0x8220];
	v1 =	vmul.f32 v1, v7;
	[tilespmem:s4+$0x82E0] =	vst v0;
	s4 =	smov.u32 s16  }
0x139: {  	v0 =	vld [tilespmem:s4+$0x18220]  }
0x13a: {  	v2 =	vmul.f32 v2, v5;
	v5 =	vld [tilespmem:s4+$0x8230];
	[tilespmem:s4+$0x82F0] =	vst v1  }
0x13b: {  	v1 =	vld [tilespmem:s4+$0x18230]  }
0x13c: {  	[tilespmem:s4+$0x8200] =	vst v2;
	v2 =	vmul.f32 v4, v3;
	v3 =	vld [tilespmem:s4+$0x8240]  }
0x13d: {  	v4 =	vld [tilespmem:s4+$0x18240]  }
0x13e: {  	[tilespmem:s4+$0x8210] =	vst v2;
	v0 =	vmul.f32 v0, v6;
	v2 =	vld [tilespmem:s4+$0x8250]  }
0x13f: {  	v6 =	vld [tilespmem:s4+$0x18250]  }
0x140: {  	[tilespmem:s4+$0x8220] =	vst v0;
	v0 =	vmul.f32 v1, v5;
	v1 =	vld [tilespmem:s4+$0x8260]  }
0x141: {  	v5 =	vld [tilespmem:s4+$0x18260]  }
0x142: {  	[tilespmem:s4+$0x8230] =	vst v0;
	v0 =	vmul.f32 v4, v3;
	v3 =	vld [tilespmem:s4+$0x8270]  }
0x143: {  	v4 =	vld [tilespmem:s4+$0x18270]  }
0x144: {  	[tilespmem:s4+$0x8240] =	vst v0;
	v0 =	vmul.f32 v6, v2;
	v2 =	vld [tilespmem:s4+$0x8280]  }
0x145: {  	v6 =	vld [tilespmem:s4+$0x18280]  }
0x146: {  	[tilespmem:s4+$0x8250] =	vst v0;
	v0 =	vmul.f32 v5, v1;
	v1 =	vld [tilespmem:s4+$0x8290]  }
0x147: {  	v5 =	vld [tilespmem:s4+$0x18290]  }
0x148: {  	[tilespmem:s4+$0x8260] =	vst v0;
	v0 =	vmul.f32 v4, v3;
	v3 =	vld [tilespmem:s4+$0x82A0]  }
0x149: {  	v4 =	vld [tilespmem:s4+$0x182A0]  }
0x14a: {  	[tilespmem:s4+$0x8270] =	vst v0;
	v0 =	vmul.f32 v6, v2;
	v6 =	vld [tilespmem:s4+$0x82B0]  }
0x14b: {  	v7 =	vld [tilespmem:s4+$0x182B0]  }
.Ltmp2:
0x14c: {  	[tilespmem:s4+$0x8280] =	vst v0;
	v2 =	vmul.f32 v5, v1;
	v0 =	vld [tilespmem:s4+$0x82C0];
	(pc) =	sbr.rel @p0 .LBB2_6-.Ltmp2, $4  }
0x14d: {  	v1 =	vld [tilespmem:s4+$0x182C0]  }
0x14e: {  	[tilespmem:s4+$0x8290] =	vst v2;
	v4 =	vmul.f32 v4, v3;
	v2 =	vld [tilespmem:s4+$0x82D0]  }
0x14f: {  	v3 =	vld [tilespmem:s4+$0x182D0]  }
0x150: {  	s6 =	sadd.s32 $0x400, s6;
	[tilespmem:s4+$0x82A0] =	vst v4;
	v5 =	vmul.f32 v7, v6;
	v4 =	vld [tilespmem:s4+$0x82E0]  }
0x151: {  	v6 =	vld [tilespmem:s4+$0x182E0];
	_ =	sdelay $0x2  }
0x152: {  	v0 =	vmul.f32 v1, v0  }
0x153: {  	[tilespmem:s4+$0x82B0] =	vst v5;
	v1 =	vmul.f32 v3, v2  }
0x154: {  	[tilespmem:s4+$0x82C0] =	vst v0;
	v0 =	vmul.f32 v6, v4  }
0x155: {  	[tilespmem:s4+$0x82D0] =	vst v1  }
0x156: {  	s26 =	simm.s32 $0x0;
	[tilespmem:s4+$0x82E0] =	vst v0  }
0x157: {  	[hbm4b:s11+s26] =	stream.linear.scatter [tilespmem:s22], [sflag:$0x8], $0x4000, $0x38;
	[tilespmem:$0x1C200] =	vst v63  }
0x158: {  	_ =	swait.ge [sflag:s24], $0x4000  }
0x159: {  	[sflag:s24] =	ssyncset.done $0x0  }
0x15a: {  	[sflag:s24] =	ssyncadd.s32 $0xFFFFC000  }
0x15b: {  	_ =	swait.ge [sflag:s0], $0x4000  }
0x15c: {  	[sflag:s0] =	ssyncset.done $0x0  }
0x15d: {  	s4 =	simm.s32 $0x0;
	[sflag:s0] =	ssyncadd.s32 $0xFFFFC000  }
0x15e: {  	v0 =	vld [tilespmem:s4+$0xC200]  }
0x15f: {  	v1 =	vld [tilespmem:s4+$0x10200]  }
0x160: {  	v2 =	vld [tilespmem:s4+$0xC210]  }
0x161: {  	v3 =	vld [tilespmem:s4+$0x10210]  }
0x162: {  	v4 =	vld [tilespmem:s4+$0xC220]  }
0x163: {  	v5 =	vld [tilespmem:s4+$0x10220]  }
0x164: {  	v6 =	vld [tilespmem:s4+$0x10230]  }
0x165: {  	v7 =	vld [tilespmem:s4+$0xC2F0]  }
0x166: {  	v8 =	vld [tilespmem:s4+$0x102F0]  }
0x167: {  	v63 =	vld [tilespmem:s4+$0xC270];
	v0 =	vmul.f32 v1, v0  }
0x168: {  	v1 =	vld [tilespmem:s4+$0xC230]  }
0x169: {  	[tilespmem:s4+$0xC200] =	vst v0;
	v0 =	vmul.f32 v3, v2;
	v2 =	vld [tilespmem:s4+$0xC240]  }
0x16a: {  	v3 =	vld [tilespmem:s4+$0x10240]  }
0x16b: {  	[tilespmem:s4+$0xC210] =	vst v0;
	v0 =	vmul.f32 v5, v4;
	v4 =	vld [tilespmem:s4+$0xC250]  }
0x16c: {  	v5 =	vld [tilespmem:s4+$0x10250]  }
0x16d: {  	[tilespmem:s4+$0xC220] =	vst v0;
	v0 =	vmul.f32 v6, v1;
	v6 =	vld [tilespmem:s4+$0xC260]  }
0x16e: {  	v1 =	vmul.f32 v8, v7;
	v7 =	vld [tilespmem:s4+$0x10260]  }
0x16f: {  	[tilespmem:s4+$0xC230] =	vst v0;
	v0 =	vld [tilespmem:s4+$0xC280]  }
0x170: {  	[tilespmem:s4+$0xC2F0] =	vst v1;
	v1 =	vld [tilespmem:s4+$0x10280]  }
0x171: {  	v9 =	vld [tilespmem:s4+$0xC290]  }
0x172: {  	v10 =	vld [tilespmem:s4+$0x10290]  }
0x173: {  	v11 =	vld [tilespmem:s4+$0xC2A0]  }
0x174: {  	v12 =	vld [tilespmem:s4+$0x102A0];
	v4 =	vmul.f32 v5, v4;
	v5 =	vmul.f32 v7, v6  }
0x175: {  	v0 =	vmul.f32 v1, v0;
	v1 =	vmul.f32 v3, v2;
	v3 =	vld [tilespmem:s4+$0x10270]  }
0x176: {  	v13 =	vld [tilespmem:s4+$0xC2B0];
	[tilespmem:s4+$0xC250] =	vst v4  }
0x177: {  	v14 =	vld [tilespmem:s4+$0x102B0];
	[tilespmem:s4+$0xC260] =	vst v5  }
0x178: {  	v2 =	vmul.f32 v10, v9;
	[tilespmem:s4+$0xC280] =	vst v0;
	v0 =	vld [tilespmem:s4+$0xC2C0]  }
0x179: {  	v4 =	vmul.f32 v12, v11;
	[tilespmem:s4+$0xC240] =	vst v1;
	v1 =	vld [tilespmem:s4+$0x102C0]  }
0x17a: {  	[tilespmem:s4+$0xC290] =	vst v2;
	v2 =	vld [tilespmem:s4+$0xC2D0];
	v5 =	vmul.f32 v3, v63  }
0x17b: {  	[tilespmem:s4+$0xC2A0] =	vst v4;
	v3 =	vld [tilespmem:s4+$0x102D0]  }
0x17c: {  	s5 =	simm.s32 $0x0;
	s6 =	simm.s32 $0x400;
	v4 =	vld [tilespmem:s4+$0xC2E0];
	[tilespmem:s4+$0xC270] =	vst v5;
	v5 =	vmul.f32 v14, v13  }
.LBB2_8:
0x17d: {  	s16 =	sshra.s32 s6, $0x2;
	v6 =	vld [tilespmem:s4+$0x102E0]  }
0x17e: {  	s5 =	sadd.s32 $0x2, s5;
	v7 =	vld [tilespmem:s16+$0xC2F0];
	[tilespmem:s4+$0xC2B0] =	vst v5;
	v0 =	vmul.f32 v1, v0  }
0x17f: {  	p0 =	slt.u32 s5, $0x7E;
	v1 =	vld [tilespmem:s16+$0x102F0]  }
0x180: {  	v5 =	vld [tilespmem:s16+$0xC200];
	[tilespmem:s4+$0xC2C0] =	vst v0;
	v0 =	vmul.f32 v3, v2  }
0x181: {  	v2 =	vld [tilespmem:s16+$0x10200]  }
0x182: {  	v3 =	vld [tilespmem:s16+$0xC210];
	[tilespmem:s4+$0xC2D0] =	vst v0;
	v0 =	vmul.f32 v6, v4  }
0x183: {  	v4 =	vld [tilespmem:s16+$0x10210]  }
0x184: {  	v6 =	vld [tilespmem:s16+$0xC220];
	v1 =	vmul.f32 v1, v7;
	[tilespmem:s4+$0xC2E0] =	vst v0;
	s4 =	smov.u32 s16  }
0x185: {  	v0 =	vld [tilespmem:s4+$0x10220]  }
0x186: {  	v2 =	vmul.f32 v2, v5;
	v5 =	vld [tilespmem:s4+$0xC230];
	[tilespmem:s4+$0xC2F0] =	vst v1  }
0x187: {  	v1 =	vld [tilespmem:s4+$0x10230]  }
0x188: {  	[tilespmem:s4+$0xC200] =	vst v2;
	v2 =	vmul.f32 v4, v3;
	v3 =	vld [tilespmem:s4+$0xC240]  }
0x189: {  	v4 =	vld [tilespmem:s4+$0x10240]  }
0x18a: {  	[tilespmem:s4+$0xC210] =	vst v2;
	v0 =	vmul.f32 v0, v6;
	v2 =	vld [tilespmem:s4+$0xC250]  }
0x18b: {  	v6 =	vld [tilespmem:s4+$0x10250]  }
0x18c: {  	[tilespmem:s4+$0xC220] =	vst v0;
	v0 =	vmul.f32 v1, v5;
	v1 =	vld [tilespmem:s4+$0xC260]  }
0x18d: {  	v5 =	vld [tilespmem:s4+$0x10260]  }
0x18e: {  	[tilespmem:s4+$0xC230] =	vst v0;
	v0 =	vmul.f32 v4, v3;
	v3 =	vld [tilespmem:s4+$0xC270]  }
0x18f: {  	v4 =	vld [tilespmem:s4+$0x10270]  }
0x190: {  	[tilespmem:s4+$0xC240] =	vst v0;
	v0 =	vmul.f32 v6, v2;
	v2 =	vld [tilespmem:s4+$0xC280]  }
0x191: {  	v6 =	vld [tilespmem:s4+$0x10280]  }
0x192: {  	[tilespmem:s4+$0xC250] =	vst v0;
	v0 =	vmul.f32 v5, v1;
	v1 =	vld [tilespmem:s4+$0xC290]  }
0x193: {  	v5 =	vld [tilespmem:s4+$0x10290]  }
0x194: {  	[tilespmem:s4+$0xC260] =	vst v0;
	v0 =	vmul.f32 v4, v3;
	v3 =	vld [tilespmem:s4+$0xC2A0]  }
0x195: {  	v4 =	vld [tilespmem:s4+$0x102A0]  }
0x196: {  	[tilespmem:s4+$0xC270] =	vst v0;
	v0 =	vmul.f32 v6, v2;
	v6 =	vld [tilespmem:s4+$0xC2B0]  }
0x197: {  	v7 =	vld [tilespmem:s4+$0x102B0]  }
.Ltmp3:
0x198: {  	[tilespmem:s4+$0xC280] =	vst v0;
	v2 =	vmul.f32 v5, v1;
	v0 =	vld [tilespmem:s4+$0xC2C0];
	(pc) =	sbr.rel @p0 .LBB2_8-.Ltmp3, $4  }
0x199: {  	v1 =	vld [tilespmem:s4+$0x102C0]  }
0x19a: {  	[tilespmem:s4+$0xC290] =	vst v2;
	v4 =	vmul.f32 v4, v3;
	v2 =	vld [tilespmem:s4+$0xC2D0]  }
0x19b: {  	v3 =	vld [tilespmem:s4+$0x102D0]  }
0x19c: {  	s6 =	sadd.s32 $0x400, s6;
	[tilespmem:s4+$0xC2A0] =	vst v4;
	v5 =	vmul.f32 v7, v6;
	v4 =	vld [tilespmem:s4+$0xC2E0]  }
0x19d: {  	v6 =	vld [tilespmem:s4+$0x102E0];
	_ =	sdelay $0x2  }
0x19e: {  	v0 =	vmul.f32 v1, v0  }
0x19f: {  	[tilespmem:s4+$0xC2B0] =	vst v5;
	v62 =	vmul.f32 v3, v2  }
0x1a0: {  	[tilespmem:s4+$0xC2C0] =	vst v0;
	v63 =	vmul.f32 v6, v4  }
0x1a1: {  	[tilespmem:s4+$0xC2D0] =	vst v62  }
0x1a2: {  	[tilespmem:s4+$0xC2E0] =	vst v63  }
0x1a3: {  	[hbm4b:s12+s3] =	stream.linear.scatter [tilespmem:s23], [sflag:$0x9], $0x4000, $0x38;
	[tilespmem:$0x1C200] =	vst v63  }
0x1a4: {  	_ =	swait.ge [sflag:s1], $0x4000  }
0x1a5: {  	[sflag:s1] =	ssyncset.done $0x0  }
0x1a6: {  	[sflag:s1] =	ssyncadd.s32 $0xFFFFC000  }
0x1a7: {  	_ =	swait.ge [sflag:s18], $0x4000  }
0x1a8: {  	[sflag:s18] =	ssyncset.done $0x0  }
0x1a9: {  	s20 =	sadd.s32 $0x1, s20;
	[sflag:s18] =	ssyncadd.s32 $0xFFFFC000  }
0x1aa: {  	p0 =	sne.s32 s20, s13;
	_ =	swait.ge [sflag:s1], $0x4000  }
.Ltmp4:
0x1ab: {  	[sflag:s1] =	ssyncset.done $0x0;
	(pc) =	sbr.rel @p0 .LBB2_1-.Ltmp4, $4  }
0x1ac: {  	[sflag:s1] =	ssyncadd.s32 $0xFFFFC000  }
0x1ad: {  	_ =	swait.ge [sflag:s18], $0x4000  }
0x1ae: {  	[sflag:s18] =	ssyncset.done $0x0  }
0x1af: {  	[sflag:s18] =	ssyncadd.s32 $0xFFFFC000  }
0x1b0: {  	_ =	sfence.sel $0x180000  }
0x1b1: {  	[bflag:$0x0] =	sbarrier.arrive $0xFFFF  }
0x1b2: {  	_ =	strace $0x90000047  }
0x1b3: {  	s0 =	stileid.u32;
	[bflag:$0x2] =	sbarrier.arrive $0xFFFF  }
0x1b4: {  	p0 =	sne.s32 s0, $0x0;
	s0 =	rddreg [dreg:$0x4]  }
0x1b5: {  	s0 =	sadd.s32 @!p0 $0x100000, s0  }
0x1b6: {  	[sflag:s0] =	ssyncadd.tile.s32 @!p0 $0x1;
	_ =	shalt  }
.Lfunc_end2:
_tile_overlayer_lowered:
.L_overlay_start_2:
0x1b7: {  	(tag) =	ssettag $0x2  }
0x1b8: {  	s0 =	rddreg [dreg:$0x0];
	s2 =	stileid.u32  }
0x1b9: {  	s1 =	rddreg [dreg:$0x1];
	p0 =	sne.s32 s2, $0x0  }
0x1ba: {  	s3 =	rddreg [dreg:$0x2];
	[bflag:$0x3] =	sbarrier.arrive $0xFFFF;
	s2 =	simm.s32 @!p0 $0x1C0A  }
0x1bb: {  	[timem:s3], [sflag:s2] =	dma.local @!p0 [hbm:s0], s1  }
0x1bc: {  	s0 =	simm.s32 @!p0 $0xA  }
0x1bd: {  	_ =	swait.ge @!p0 [sflag:s0], s1  }
0x1be: {  	s1 =	ssub.s32 @!p0 $0x0, s1;
	[sflag:s0] =	ssyncset.done @!p0 $0x0  }
0x1bf: {  	[sflag:s0] =	ssyncadd.s32 @!p0 s1  }
0x1c0: {  	[bflag:$0x3] =	sbarrier.arrive $0xFFFF  }
0x1c1: {  	_ =	shalt  }

</sc_bundles>
